<compile_context>
chip_gen: v7x
topology: tpu7x:2x2x1
jax: 0.10.2.dev20260603
libtpu: 0.0.44.dev20260713+nightly
codegen_flags: <defaults>
</compile_context>

<pallas_src>
import functools

import jax
import jax.numpy as jnp
from jax import lax
from jax.experimental import pallas as pl
from jax.experimental.pallas import tpu as pltpu
from jax.experimental.pallas import tpu_sc as plsc

_NUM_CLASSES = 16
_NC = 2
_NS = 16
_NW = _NC * _NS
_N = 4096
_P = 64
_C = 128
_NPB = 8
_NQ = 4
_SPQ = _N // _NQ
_BATCH = 32
_NBATCH = _SPQ // _BATCH


def _sc_segment_sum(xt, labels):
    mesh = plsc.VectorSubcoreMesh(core_axis_name="c", subcore_axis_name="s")

    @functools.partial(
        pl.kernel,
        out_type=jax.ShapeDtypeStruct(
            (_NQ, _NUM_CLASSES, _P, _C), jnp.float32
        ),
        mesh=mesh,
        scratch_types=[
            pltpu.VMEM((_SPQ,), jnp.int32),
            pltpu.VMEM((_BATCH, _NPB, _C), jnp.float32),
            pltpu.VMEM((_BATCH, _NPB, _C), jnp.float32),
            pltpu.VMEM((_NUM_CLASSES, _NPB, _C), jnp.float32),
            pltpu.SemaphoreType.DMA,
            pltpu.SemaphoreType.DMA,
        ],
        compiler_params=pltpu.CompilerParams(
            use_tc_tiling_on_sc=True, needs_layout_passes=False
        ),
    )
    def seg_sum(x_hbm, lab_hbm, out_hbm, lab_v, buf_a, buf_b, acc_v,
                sem_a, sem_b):
        c = lax.axis_index("c")
        s = lax.axis_index("s")
        wid = c * _NS + s
        pb = wid % _NPB
        q = wid // _NPB
        n_base = q * _SPQ

        pltpu.sync_copy(lab_hbm.at[pl.ds(n_base, _SPQ)], lab_v)

        zeros = jnp.zeros((16,), jnp.float32)

        def _zero_body(i, _):
            r = i // (_NPB * _C // 16)
            rem = i % (_NPB * _C // 16)
            acc_v[r, rem // (_C // 16), pl.ds((rem % (_C // 16)) * 16, 16)] = (
                zeros
            )
            return 0

        lax.fori_loop(0, _NUM_CLASSES * _NPB * _C // 16, _zero_body, 0)

        col_iota = lax.broadcasted_iota(jnp.int32, (16,), 0)
        _gdn = lax.GatherDimensionNumbers(
            offset_dims=(), collapsed_slice_dims=(0,), start_index_map=(0,)
        )

        def _splat(v, j):
            idx = jnp.full((16, 1), j, jnp.int32)
            return lax.gather(
                v, idx, _gdn, (1,),
                mode=lax.GatherScatterMode.PROMISE_IN_BOUNDS,
            )

        def _start(j, buf, sem):
            pltpu.async_copy(
                x_hbm.at[
                    pl.ds(n_base + j * _BATCH, _BATCH),
                    pl.ds(pb * _NPB, _NPB),
                    pl.ds(0, _C),
                ],
                buf,
                sem,
            )

        def _wait(buf, sem):
            pltpu.make_async_copy(
                x_hbm.at[pl.ds(0, _BATCH), pl.ds(0, _NPB), pl.ds(0, _C)],
                buf,
                sem,
            ).wait()

        def _process(j, buf):
            n0 = j * _BATCH

            def _group_body(g, _):
                labv = lab_v[pl.ds(n0 + g * 16, 16)]
                splats = [_splat(labv, jj) for jj in range(16)]

                @plsc.parallel_loop(0, _NPB * (_C // 16), unroll=4)
                def _k_body(k):
                    r8 = k // (_C // 16)
                    co = (k % (_C // 16)) * 16
                    r8v = jnp.full((16,), r8, jnp.int32)
                    colv = col_iota + co
                    for jj in range(16):
                        vals = buf[g * 16 + jj, r8, pl.ds(co, 16)]
                        plsc.addupdate_scatter(
                            acc_v, [splats[jj], r8v, colv], vals
                        )

                return 0

            lax.fori_loop(0, _BATCH // 16, _group_body, 0)

        _start(0, buf_a, sem_a)
        _start(1, buf_b, sem_b)

        def _pipe_body(h, _):
            j0 = h * 2

            _wait(buf_a, sem_a)
            _process(j0, buf_a)

            @pl.when(j0 + 2 < _NBATCH)
            def _():
                _start(j0 + 2, buf_a, sem_a)

            _wait(buf_b, sem_b)
            _process(j0 + 1, buf_b)

            @pl.when(j0 + 3 < _NBATCH)
            def _():
                _start(j0 + 3, buf_b, sem_b)

            return 0

        lax.fori_loop(0, _NBATCH // 2, _pipe_body, 0)

        pltpu.sync_copy(
            acc_v,
            out_hbm.at[q, pl.ds(0, _NUM_CLASSES), pl.ds(pb * _NPB, _NPB),
                       pl.ds(0, _C)],
        )

    return seg_sum(xt, labels)


def _tc_body(part_ref, lab_ref, out_ref):
    part = part_ref[...]
    sums = (
        (part[0] + part[1]) + (part[2] + part[3])
    ).reshape(_NUM_CLASSES, _P * _C)
    lab = lab_ref[...]
    onehot = (
        lab[None, :, :]
        == lax.broadcasted_iota(jnp.int32, (_NUM_CLASSES, 32, _N // 32), 0)
    ).astype(jnp.float32)
    counts = jnp.sum(onehot, axis=(1, 2))
    denom = jnp.maximum(counts, 1.0)[:, None]
    centers = jnp.where(counts[:, None] > 0, sums / denom, 0.0)

    gram = lax.dot_general(
        centers, centers, (((1,), (1,)), ((), ())),
        preferred_element_type=jnp.float32,
    )
    nrm = jnp.sum(centers * centers, axis=1)
    sq = jnp.maximum(nrm[:, None] + nrm[None, :] - 2.0 * gram, 0.0)

    ii = lax.broadcasted_iota(jnp.int32, (_NUM_CLASSES, _NUM_CLASSES), 0)
    jj = lax.broadcasted_iota(jnp.int32, (_NUM_CLASSES, _NUM_CLASSES), 1)
    mask = jj > ii
    norms = jnp.where(mask, jnp.sqrt(jnp.where(mask, sq, 1.0)), 0.0)
    num = _NUM_CLASSES * (_NUM_CLASSES - 1) // 2
    out_ref[...] = (jnp.sum(norms) / num).reshape(1, 1)


def _tc_distance(partials, labels2d):
    return pl.pallas_call(
        _tc_body,
        out_shape=jax.ShapeDtypeStruct((1, 1), jnp.float32),
    )(partials, labels2d)


@jax.jit
def kernel(x, labels):
    if x.ndim == 4:
        n, c, h, w = x.shape
        x = x.reshape(n, c * h, w)
    xt = jnp.transpose(x, (0, 2, 1))
    labels = labels.astype(jnp.int32)
    partials = _sc_segment_sum(xt, labels)
    labels2d = labels.reshape(32, _N // 32)
    out = _tc_distance(partials, labels2d)
    return out[0, 0]

# --- scband reference (transcript-rebuilt; emitter-appended) ---
"""Pipeline reference for scband-center-disc-9079560864491 (READ-ONLY COPY).

The authoritative reference and input builder live on the scoring server;
editing this copy changes nothing except your own understanding.
"""

import jax, jax.numpy as jnp
import numpy as np

NUM_CLASSES = 16


def grad_reverse(x):
    # identity in forward; gradient reversal only matters in backward
    return x


def compute_class_centers(features, labels, num_classes):
    # features: (N, C, P), labels: (N,)
    counts = jax.ops.segment_sum(jnp.ones((features.shape[0],), dtype=features.dtype), labels, num_segments=num_classes)
    sums = jax.ops.segment_sum(features, labels, num_segments=num_classes)
    denom = jnp.maximum(counts, 1.0)[:, None, None]
    centers = jnp.where(counts[:, None, None] > 0, sums / denom, 0.0)
    return centers


def setup_inputs(seed: int = 0) -> dict:
    key = jax.random.key(seed)
    k1, k2 = jax.random.split(key)
    x = jax.random.normal(k1, (4096, 128, 64), dtype=jnp.float32)
    labels = jax.random.randint(k2, (4096,), 0, NUM_CLASSES)
    return {"x": x, "labels": labels}


def reference(x, labels):
    if x.ndim == 4:
        n, c, h, w = x.shape
        x = x.reshape(n, c * h, w)
    centers = compute_class_centers(x, labels, NUM_CLASSES)
    # pairwise frobenius norms between class centers, upper triangle i < j
    diff = centers[:, None, :, :] - centers[None, :, :, :]
    sq = jnp.sum(diff * diff, axis=(2, 3))
    mask = jnp.triu(jnp.ones((NUM_CLASSES, NUM_CLASSES), dtype=x.dtype), k=1)
    safe_sq = jnp.where(mask > 0, sq, 1.0)
    norms = jnp.where(mask > 0, jnp.sqrt(safe_sq), 0.0)
    num = NUM_CLASSES * (NUM_CLASSES - 1) // 2
    distance = jnp.sum(norms)
    return grad_reverse(distance / num)

if __name__ == "__main__":
    import jax
    _d = setup_inputs()
    print(jax.jit(kernel)(*tuple(_d.values())))

</pallas_src>

<mosaic_0001>
#map = affine_map<(d0, d1) -> (0, 0, 0)>
#map1 = affine_map<(d0, d1) -> (0)>
#map2 = affine_map<(d0, d1) -> (0, 0, 0, 0)>
module attributes {stable_mosaic.version = 14 : i64} {
  func.func @seg_sum(%arg0: i32, %arg1: i32, %arg2: memref<4096x64x128xf32, #tpu.memory_space<hbm>>, %arg3: memref<4096xi32, #tpu.memory_space<hbm>>, %arg4: memref<4x16x64x128xf32, #tpu.memory_space<hbm>>, %arg5: memref<1024xi32, #tpu.memory_space<vmem>>, %arg6: memref<32x8x128xf32, #tpu.memory_space<vmem>>, %arg7: memref<32x8x128xf32, #tpu.memory_space<vmem>>, %arg8: memref<16x8x128xf32, #tpu.memory_space<vmem>>, %arg9: memref<!tpu.dma_semaphore, #tpu.memory_space<semaphore_mem>>, %arg10: memref<!tpu.dma_semaphore, #tpu.memory_space<semaphore_mem>>) attributes {dimension_semantics = [#tpu.dimension_semantics<core_parallel>, #tpu.dimension_semantics<subcore_parallel>], iteration_bounds = array<i64: 2, 16>, scalar_prefetch = 0 : i64, scratch_operands = 6 : i64, tpu.core_type = #tpu.core_type<sc_vector_subcore>, window_params = [{transform_indices = #map}, {transform_indices = #map1}, {transform_indices = #map2}]} {
    %mul3A = arith.constant 16 : i32
    %mul3A_0 = arith.muli %arg0, %mul3A : i32
    %add3A = arith.addi %mul3A_0, %arg1 : i32
    %jit3A = arith.constant 8 : i32
    %eq3A = arith.constant 0 : i32
    %eq3A_1 = arith.cmpi eq, %jit3A, %eq3A : i32
    %jit3A_2 = arith.constant 1 : i32
    %select_n3A = arith.select %eq3A_1, %jit3A_2, %jit3A : i32
    %rem3A = arith.remsi %add3A, %select_n3A : i32
    %ne3A = arith.constant 0 : i32
    %ne3A_3 = arith.cmpi ne, %rem3A, %ne3A : i32
    %lt3A = arith.constant 0 : i32
    %lt3A_4 = arith.cmpi slt, %rem3A, %lt3A : i32
    %lt3A_5 = arith.constant 0 : i32
    %lt3A_6 = arith.cmpi slt, %select_n3A, %lt3A_5 : i32
    %ne3A_7 = arith.xori %lt3A_4, %lt3A_6 : i1
    %and3A = arith.andi %ne3A_7, %ne3A_3 : i1
    %add3A_8 = arith.addi %rem3A, %select_n3A : i32
    %select_n3A_9 = arith.select %and3A, %add3A_8, %rem3A : i32
    %jit3A_10 = arith.constant 8 : i32
    %div3A = arith.divsi %add3A, %jit3A_10 : i32
    %sign3A = arith.constant 0 : i32
    %sign3A_11 = arith.cmpi sgt, %add3A, %sign3A : i32
    %sign3A_12 = arith.extui %sign3A_11 : i1 to i32
    %sign3A_13 = arith.constant 0 : i32
    %sign3A_14 = arith.cmpi slt, %add3A, %sign3A_13 : i32
    %sign3A_15 = arith.extui %sign3A_14 : i1 to i32
    %sign3A_16 = arith.subi %sign3A_12, %sign3A_15 : i32
    %sign3A_17 = arith.constant 0 : i32
    %sign3A_18 = arith.cmpi sgt, %jit3A_10, %sign3A_17 : i32
    %sign3A_19 = arith.extui %sign3A_18 : i1 to i32
    %sign3A_20 = arith.constant 0 : i32
    %sign3A_21 = arith.cmpi slt, %jit3A_10, %sign3A_20 : i32
    %sign3A_22 = arith.extui %sign3A_21 : i1 to i32
    %sign3A_23 = arith.subi %sign3A_19, %sign3A_22 : i32
    %ne3A_24 = arith.cmpi ne, %sign3A_16, %sign3A_23 : i32
    %rem3A_25 = arith.remsi %add3A, %jit3A_10 : i32
    %ne3A_26 = arith.constant 0 : i32
    %ne3A_27 = arith.cmpi ne, %rem3A_25, %ne3A_26 : i32
    %and3A_28 = arith.andi %ne3A_24, %ne3A_27 : i1
    %sub3A = arith.constant 1 : i32
    %sub3A_29 = arith.subi %div3A, %sub3A : i32
    %select_n3A_30 = arith.select %and3A_28, %sub3A_29, %div3A : i32
    %mul3A_31 = arith.constant 1024 : i32
    %mul3A_32 = arith.muli %select_n3A_30, %mul3A_31 : i32
    "tpu.region"() ({
      %run_scoped3A = tpu.sem_alloc : memref<!tpu.dma_semaphore, #tpu.memory_space<semaphore_mem>>
      %dma_start3A_64 = tpu.memref_slice %arg3[%mul3A_32] : memref<4096xi32, #tpu.memory_space<hbm>> -> memref<1024xi32, #tpu.memory_space<hbm>>
      %dma_start3A_65 = tpu.memref_slice %arg3[%mul3A_32] : memref<4096xi32, #tpu.memory_space<hbm>> -> memref<1024xi32, #tpu.memory_space<hbm>>
      tpu.enqueue_dma source(%dma_start3A_65 : memref<1024xi32, #tpu.memory_space<hbm>>) target(%arg5 : memref<1024xi32, #tpu.memory_space<vmem>>) target_semaphore(%run_scoped3A : memref<!tpu.dma_semaphore, #tpu.memory_space<semaphore_mem>>)
      %dma_wait3A = tpu.memref_slice %arg3[%mul3A_32] : memref<4096xi32, #tpu.memory_space<hbm>> -> memref<1024xi32, #tpu.memory_space<hbm>>
      %dma_wait3A_66 = tpu.memref_slice %arg3[%mul3A_32] : memref<4096xi32, #tpu.memory_space<hbm>> -> memref<1024xi32, #tpu.memory_space<hbm>>
      tpu.wait_dma2 semaphore(%run_scoped3A : memref<!tpu.dma_semaphore, #tpu.memory_space<semaphore_mem>>) src(%dma_wait3A_66 : memref<1024xi32, #tpu.memory_space<hbm>>) dst(%arg5 : memref<1024xi32, #tpu.memory_space<vmem>>)
      tpu.yield
    }) : () -> ()
    %broadcast_in_dim3A = arith.constant 0.000000e+00 : f32
    %broadcast_in_dim3A_33 = vector.broadcast %broadcast_in_dim3A : f32 to vector<16xf32>
    %scan3A = arith.constant 0 : i32
    %scan3A_34 = arith.constant 0 : i32
    %scan3A_35 = arith.constant 1024 : i32
    %scan3A_36 = arith.addi %scan3A_34, %scan3A_35 : i32
    %scan3A_37 = arith.constant 1 : i32
    %scan3A_38 = scf.for %scan3A_64 = %scan3A_34 to %scan3A_36 step %scan3A_37 iter_args(%scan3A_65 = %scan3A) -> (i32)  : i32 {
      %jit3A_66 = arith.constant 64 : i32
      %div3A_67 = arith.divsi %scan3A_64, %jit3A_66 : i32
      %sign3A_68 = arith.constant 0 : i32
      %sign3A_69 = arith.cmpi sgt, %scan3A_64, %sign3A_68 : i32
      %sign3A_70 = arith.extui %sign3A_69 : i1 to i32
      %sign3A_71 = arith.constant 0 : i32
      %sign3A_72 = arith.cmpi slt, %scan3A_64, %sign3A_71 : i32
      %sign3A_73 = arith.extui %sign3A_72 : i1 to i32
      %sign3A_74 = arith.subi %sign3A_70, %sign3A_73 : i32
      %sign3A_75 = arith.constant 0 : i32
      %sign3A_76 = arith.cmpi sgt, %jit3A_66, %sign3A_75 : i32
      %sign3A_77 = arith.extui %sign3A_76 : i1 to i32
      %sign3A_78 = arith.constant 0 : i32
      %sign3A_79 = arith.cmpi slt, %jit3A_66, %sign3A_78 : i32
      %sign3A_80 = arith.extui %sign3A_79 : i1 to i32
      %sign3A_81 = arith.subi %sign3A_77, %sign3A_80 : i32
      %ne3A_82 = arith.cmpi ne, %sign3A_74, %sign3A_81 : i32
      %rem3A_83 = arith.remsi %scan3A_64, %jit3A_66 : i32
      %ne3A_84 = arith.constant 0 : i32
      %ne3A_85 = arith.cmpi ne, %rem3A_83, %ne3A_84 : i32
      %and3A_86 = arith.andi %ne3A_82, %ne3A_85 : i1
      %sub3A_87 = arith.constant 1 : i32
      %sub3A_88 = arith.subi %div3A_67, %sub3A_87 : i32
      %select_n3A_89 = arith.select %and3A_86, %sub3A_88, %div3A_67 : i32
      %jit3A_90 = arith.constant 64 : i32
      %eq3A_91 = arith.constant 0 : i32
      %eq3A_92 = arith.cmpi eq, %jit3A_90, %eq3A_91 : i32
      %jit3A_93 = arith.constant 1 : i32
      %select_n3A_94 = arith.select %eq3A_92, %jit3A_93, %jit3A_90 : i32
      %rem3A_95 = arith.remsi %scan3A_64, %select_n3A_94 : i32
      %ne3A_96 = arith.constant 0 : i32
      %ne3A_97 = arith.cmpi ne, %rem3A_95, %ne3A_96 : i32
      %lt3A_98 = arith.constant 0 : i32
      %lt3A_99 = arith.cmpi slt, %rem3A_95, %lt3A_98 : i32
      %lt3A_100 = arith.constant 0 : i32
      %lt3A_101 = arith.cmpi slt, %select_n3A_94, %lt3A_100 : i32
      %ne3A_102 = arith.xori %lt3A_99, %lt3A_101 : i1
      %and3A_103 = arith.andi %ne3A_102, %ne3A_97 : i1
      %add3A_104 = arith.addi %rem3A_95, %select_n3A_94 : i32
      %select_n3A_105 = arith.select %and3A_103, %add3A_104, %rem3A_95 : i32
      %jit3A_106 = arith.constant 8 : i32
      %div3A_107 = arith.divsi %select_n3A_105, %jit3A_106 : i32
      %sign3A_108 = arith.constant 0 : i32
      %sign3A_109 = arith.cmpi sgt, %select_n3A_105, %sign3A_108 : i32
      %sign3A_110 = arith.extui %sign3A_109 : i1 to i32
      %sign3A_111 = arith.constant 0 : i32
      %sign3A_112 = arith.cmpi slt, %select_n3A_105, %sign3A_111 : i32
      %sign3A_113 = arith.extui %sign3A_112 : i1 to i32
      %sign3A_114 = arith.subi %sign3A_110, %sign3A_113 : i32
      %sign3A_115 = arith.constant 0 : i32
      %sign3A_116 = arith.cmpi sgt, %jit3A_106, %sign3A_115 : i32
      %sign3A_117 = arith.extui %sign3A_116 : i1 to i32
      %sign3A_118 = arith.constant 0 : i32
      %sign3A_119 = arith.cmpi slt, %jit3A_106, %sign3A_118 : i32
      %sign3A_120 = arith.extui %sign3A_119 : i1 to i32
      %sign3A_121 = arith.subi %sign3A_117, %sign3A_120 : i32
      %ne3A_122 = arith.cmpi ne, %sign3A_114, %sign3A_121 : i32
      %rem3A_123 = arith.remsi %select_n3A_105, %jit3A_106 : i32
      %ne3A_124 = arith.constant 0 : i32
      %ne3A_125 = arith.cmpi ne, %rem3A_123, %ne3A_124 : i32
      %and3A_126 = arith.andi %ne3A_122, %ne3A_125 : i1
      %sub3A_127 = arith.constant 1 : i32
      %sub3A_128 = arith.subi %div3A_107, %sub3A_127 : i32
      %select_n3A_129 = arith.select %and3A_126, %sub3A_128, %div3A_107 : i32
      %jit3A_130 = arith.constant 8 : i32
      %eq3A_131 = arith.constant 0 : i32
      %eq3A_132 = arith.cmpi eq, %jit3A_130, %eq3A_131 : i32
      %jit3A_133 = arith.constant 1 : i32
      %select_n3A_134 = arith.select %eq3A_132, %jit3A_133, %jit3A_130 : i32
      %rem3A_135 = arith.remsi %select_n3A_105, %select_n3A_134 : i32
      %ne3A_136 = arith.constant 0 : i32
      %ne3A_137 = arith.cmpi ne, %rem3A_135, %ne3A_136 : i32
      %lt3A_138 = arith.constant 0 : i32
      %lt3A_139 = arith.cmpi slt, %rem3A_135, %lt3A_138 : i32
      %lt3A_140 = arith.constant 0 : i32
      %lt3A_141 = arith.cmpi slt, %select_n3A_134, %lt3A_140 : i32
      %ne3A_142 = arith.xori %lt3A_139, %lt3A_141 : i1
      %and3A_143 = arith.andi %ne3A_142, %ne3A_137 : i1
      %add3A_144 = arith.addi %rem3A_135, %select_n3A_134 : i32
      %select_n3A_145 = arith.select %and3A_143, %add3A_144, %rem3A_135 : i32
      %mul3A_146 = arith.constant 16 : i32
      %mul3A_147 = arith.muli %select_n3A_145, %mul3A_146 : i32
      %swap3A = arith.index_cast %select_n3A_89 : i32 to index
      %swap3A_148 = arith.index_cast %select_n3A_129 : i32 to index
      %swap3A_149 = arith.index_cast %mul3A_147 : i32 to index
      %swap3A_150 = tpu.vector_load %arg8[%swap3A, %swap3A_148, %swap3A_149] {strides = array<i32>} : memref<16x8x128xf32, #tpu.memory_space<vmem>>, vector<16xf32>,
      tpu.vector_store %arg8[%swap3A, %swap3A_148, %swap3A_149], %broadcast_in_dim3A_33 {strides = array<i32>} : memref<16x8x128xf32, #tpu.memory_space<vmem>>, vector<16xf32>,
      %scan3A_151 = arith.constant 0 : i32
      scf.yield %scan3A_151 : i32
    }
    %scan3A_39 = arith.constant 1024 : i32
    %iota3A = tpu.iota {dimensions = array<i32: 0>} : vector<16xi32>
    %add3A_40 = arith.constant 0 : i32
    %add3A_41 = arith.addi %mul3A_32, %add3A_40 : i32
    %mul3A_42 = arith.constant 8 : i32
    %mul3A_43 = arith.muli %select_n3A_9, %mul3A_42 : i32
    %dma_start3A = arith.constant 0 : i32
    %dma_start3A_44 = tpu.memref_slice %arg2[%add3A_41, %mul3A_43, %dma_start3A] : memref<4096x64x128xf32, #tpu.memory_space<hbm>> -> memref<32x8x128xf32, #tpu.memory_space<hbm>>
    %dma_start3A_45 = arith.constant 0 : i32
    %dma_start3A_46 = tpu.memref_slice %arg2[%add3A_41, %mul3A_43, %dma_start3A_45] : memref<4096x64x128xf32, #tpu.memory_space<hbm>> -> memref<32x8x128xf32, #tpu.memory_space<hbm>>
    tpu.enqueue_dma source(%dma_start3A_46 : memref<32x8x128xf32, #tpu.memory_space<hbm>>) target(%arg6 : memref<32x8x128xf32, #tpu.memory_space<vmem>>) target_semaphore(%arg9 : memref<!tpu.dma_semaphore, #tpu.memory_space<semaphore_mem>>)
    %add3A_47 = arith.constant 32 : i32
    %add3A_48 = arith.addi %mul3A_32, %add3A_47 : i32
    %mul3A_49 = arith.constant 8 : i32
    %mul3A_50 = arith.muli %select_n3A_9, %mul3A_49 : i32
    %dma_start3A_51 = arith.constant 0 : i32
    %dma_start3A_52 = tpu.memref_slice %arg2[%add3A_48, %mul3A_50, %dma_start3A_51] : memref<4096x64x128xf32, #tpu.memory_space<hbm>> -> memref<32x8x128xf32, #tpu.memory_space<hbm>>
    %dma_start3A_53 = arith.constant 0 : i32
    %dma_start3A_54 = tpu.memref_slice %arg2[%add3A_48, %mul3A_50, %dma_start3A_53] : memref<4096x64x128xf32, #tpu.memory_space<hbm>> -> memref<32x8x128xf32, #tpu.memory_space<hbm>>
    tpu.enqueue_dma source(%dma_start3A_54 : memref<32x8x128xf32, #tpu.memory_space<hbm>>) target(%arg7 : memref<32x8x128xf32, #tpu.memory_space<vmem>>) target_semaphore(%arg10 : memref<!tpu.dma_semaphore, #tpu.memory_space<semaphore_mem>>)
    %scan3A_55 = arith.constant 0 : i32
    %scan3A_56 = arith.constant 0 : i32
    %scan3A_57 = arith.constant 16 : i32
    %scan3A_58 = arith.addi %scan3A_56, %scan3A_57 : i32
    %scan3A_59 = arith.constant 1 : i32
    %scan3A_60 = scf.for %scan3A_64 = %scan3A_56 to %scan3A_58 step %scan3A_59 iter_args(%scan3A_65 = %scan3A_55) -> (i32)  : i32 {
      %mul3A_66 = arith.constant 2 : i32
      %mul3A_67 = arith.muli %scan3A_64, %mul3A_66 : i32
      %dma_wait3A = arith.constant 0 : i32
      %dma_wait3A_68 = arith.constant 0 : i32
      %dma_wait3A_69 = arith.constant 0 : i32
      %dma_wait3A_70 = tpu.memref_slice %arg2[%dma_wait3A, %dma_wait3A_68, %dma_wait3A_69] : memref<4096x64x128xf32, #tpu.memory_space<hbm>> -> memref<32x8x128xf32, #tpu.memory_space<hbm>>
      %dma_wait3A_71 = arith.constant 0 : i32
      %dma_wait3A_72 = arith.constant 0 : i32
      %dma_wait3A_73 = arith.constant 0 : i32
      %dma_wait3A_74 = tpu.memref_slice %arg2[%dma_wait3A_71, %dma_wait3A_72, %dma_wait3A_73] : memref<4096x64x128xf32, #tpu.memory_space<hbm>> -> memref<32x8x128xf32, #tpu.memory_space<hbm>>
      tpu.wait_dma2 semaphore(%arg9 : memref<!tpu.dma_semaphore, #tpu.memory_space<semaphore_mem>>) src(%dma_wait3A_74 : memref<32x8x128xf32, #tpu.memory_space<hbm>>) dst(%arg6 : memref<32x8x128xf32, #tpu.memory_space<vmem>>)
      %mul3A_75 = arith.constant 32 : i32
      %mul3A_76 = arith.muli %mul3A_67, %mul3A_75 : i32
      %scan3A_77 = arith.constant 0 : i32
      %scan3A_78 = arith.constant 0 : i32
      %scan3A_79 = arith.constant 2 : i32
      %scan3A_80 = arith.addi %scan3A_78, %scan3A_79 : i32
      %scan3A_81 = arith.constant 1 : i32
      %scan3A_82 = scf.for %scan3A_116 = %scan3A_78 to %scan3A_80 step %scan3A_81 iter_args(%scan3A_117 = %scan3A_77) -> (i32)  : i32 {
        %mul3A_118 = arith.constant 16 : i32
        %mul3A_119 = arith.muli %scan3A_116, %mul3A_118 : i32
        %add3A_120 = arith.addi %mul3A_76, %mul3A_119 : i32
        %get3A = arith.index_cast %add3A_120 : i32 to index
        %get3A_121 = tpu.vector_load %arg5[%get3A] {strides = array<i32>} : memref<1024xi32, #tpu.memory_space<vmem>>, vector<16xi32>,
        %broadcast_in_dim3A_122 = arith.constant 0 : i32
        %broadcast_in_dim3A_123 = vector.broadcast %broadcast_in_dim3A_122 : i32 to vector<16x1xi32>
        %gather3A = vector.shape_cast %broadcast_in_dim3A_123 : vector<16x1xi32> to vector<16xi32>
        %gather3A_124 = tpu.dynamic_gather %get3A_121[%gather3A] in [0] : vector<16xi32>, vector<16xi32> -> vector<16xi32>
        %broadcast_in_dim3A_125 = arith.constant 1 : i32
        %broadcast_in_dim3A_126 = vector.broadcast %broadcast_in_dim3A_125 : i32 to vector<16x1xi32>
        %gather3A_127 = vector.shape_cast %broadcast_in_dim3A_126 : vector<16x1xi32> to vector<16xi32>
        %gather3A_128 = tpu.dynamic_gather %get3A_121[%gather3A_127] in [0] : vector<16xi32>, vector<16xi32> -> vector<16xi32>
        %broadcast_in_dim3A_129 = arith.constant 2 : i32
        %broadcast_in_dim3A_130 = vector.broadcast %broadcast_in_dim3A_129 : i32 to vector<16x1xi32>
        %gather3A_131 = vector.shape_cast %broadcast_in_dim3A_130 : vector<16x1xi32> to vector<16xi32>
        %gather3A_132 = tpu.dynamic_gather %get3A_121[%gather3A_131] in [0] : vector<16xi32>, vector<16xi32> -> vector<16xi32>
        %broadcast_in_dim3A_133 = arith.constant 3 : i32
        %broadcast_in_dim3A_134 = vector.broadcast %broadcast_in_dim3A_133 : i32 to vector<16x1xi32>
        %gather3A_135 = vector.shape_cast %broadcast_in_dim3A_134 : vector<16x1xi32> to vector<16xi32>
        %gather3A_136 = tpu.dynamic_gather %get3A_121[%gather3A_135] in [0] : vector<16xi32>, vector<16xi32> -> vector<16xi32>
        %broadcast_in_dim3A_137 = arith.constant 4 : i32
        %broadcast_in_dim3A_138 = vector.broadcast %broadcast_in_dim3A_137 : i32 to vector<16x1xi32>
        %gather3A_139 = vector.shape_cast %broadcast_in_dim3A_138 : vector<16x1xi32> to vector<16xi32>
        %gather3A_140 = tpu.dynamic_gather %get3A_121[%gather3A_139] in [0] : vector<16xi32>, vector<16xi32> -> vector<16xi32>
        %broadcast_in_dim3A_141 = arith.constant 5 : i32
        %broadcast_in_dim3A_142 = vector.broadcast %broadcast_in_dim3A_141 : i32 to vector<16x1xi32>
        %gather3A_143 = vector.shape_cast %broadcast_in_dim3A_142 : vector<16x1xi32> to vector<16xi32>
        %gather3A_144 = tpu.dynamic_gather %get3A_121[%gather3A_143] in [0] : vector<16xi32>, vector<16xi32> -> vector<16xi32>
        %broadcast_in_dim3A_145 = arith.constant 6 : i32
        %broadcast_in_dim3A_146 = vector.broadcast %broadcast_in_dim3A_145 : i32 to vector<16x1xi32>
        %gather3A_147 = vector.shape_cast %broadcast_in_dim3A_146 : vector<16x1xi32> to vector<16xi32>
        %gather3A_148 = tpu.dynamic_gather %get3A_121[%gather3A_147] in [0] : vector<16xi32>, vector<16xi32> -> vector<16xi32>
        %broadcast_in_dim3A_149 = arith.constant 7 : i32
        %broadcast_in_dim3A_150 = vector.broadcast %broadcast_in_dim3A_149 : i32 to vector<16x1xi32>
        %gather3A_151 = vector.shape_cast %broadcast_in_dim3A_150 : vector<16x1xi32> to vector<16xi32>
        %gather3A_152 = tpu.dynamic_gather %get3A_121[%gather3A_151] in [0] : vector<16xi32>, vector<16xi32> -> vector<16xi32>
        %broadcast_in_dim3A_153 = arith.constant 8 : i32
        %broadcast_in_dim3A_154 = vector.broadcast %broadcast_in_dim3A_153 : i32 to vector<16x1xi32>
        %gather3A_155 = vector.shape_cast %broadcast_in_dim3A_154 : vector<16x1xi32> to vector<16xi32>
        %gather3A_156 = tpu.dynamic_gather %get3A_121[%gather3A_155] in [0] : vector<16xi32>, vector<16xi32> -> vector<16xi32>
        %broadcast_in_dim3A_157 = arith.constant 9 : i32
        %broadcast_in_dim3A_158 = vector.broadcast %broadcast_in_dim3A_157 : i32 to vector<16x1xi32>
        %gather3A_159 = vector.shape_cast %broadcast_in_dim3A_158 : vector<16x1xi32> to vector<16xi32>
        %gather3A_160 = tpu.dynamic_gather %get3A_121[%gather3A_159] in [0] : vector<16xi32>, vector<16xi32> -> vector<16xi32>
        %broadcast_in_dim3A_161 = arith.constant 10 : i32
        %broadcast_in_dim3A_162 = vector.broadcast %broadcast_in_dim3A_161 : i32 to vector<16x1xi32>
        %gather3A_163 = vector.shape_cast %broadcast_in_dim3A_162 : vector<16x1xi32> to vector<16xi32>
        %gather3A_164 = tpu.dynamic_gather %get3A_121[%gather3A_163] in [0] : vector<16xi32>, vector<16xi32> -> vector<16xi32>
        %broadcast_in_dim3A_165 = arith.constant 11 : i32
        %broadcast_in_dim3A_166 = vector.broadcast %broadcast_in_dim3A_165 : i32 to vector<16x1xi32>
        %gather3A_167 = vector.shape_cast %broadcast_in_dim3A_166 : vector<16x1xi32> to vector<16xi32>
        %gather3A_168 = tpu.dynamic_gather %get3A_121[%gather3A_167] in [0] : vector<16xi32>, vector<16xi32> -> vector<16xi32>
        %broadcast_in_dim3A_169 = arith.constant 12 : i32
        %broadcast_in_dim3A_170 = vector.broadcast %broadcast_in_dim3A_169 : i32 to vector<16x1xi32>
        %gather3A_171 = vector.shape_cast %broadcast_in_dim3A_170 : vector<16x1xi32> to vector<16xi32>
        %gather3A_172 = tpu.dynamic_gather %get3A_121[%gather3A_171] in [0] : vector<16xi32>, vector<16xi32> -> vector<16xi32>
        %broadcast_in_dim3A_173 = arith.constant 13 : i32
        %broadcast_in_dim3A_174 = vector.broadcast %broadcast_in_dim3A_173 : i32 to vector<16x1xi32>
        %gather3A_175 = vector.shape_cast %broadcast_in_dim3A_174 : vector<16x1xi32> to vector<16xi32>
        %gather3A_176 = tpu.dynamic_gather %get3A_121[%gather3A_175] in [0] : vector<16xi32>, vector<16xi32> -> vector<16xi32>
        %broadcast_in_dim3A_177 = arith.constant 14 : i32
        %broadcast_in_dim3A_178 = vector.broadcast %broadcast_in_dim3A_177 : i32 to vector<16x1xi32>
        %gather3A_179 = vector.shape_cast %broadcast_in_dim3A_178 : vector<16x1xi32> to vector<16xi32>
        %gather3A_180 = tpu.dynamic_gather %get3A_121[%gather3A_179] in [0] : vector<16xi32>, vector<16xi32> -> vector<16xi32>
        %broadcast_in_dim3A_181 = arith.constant 15 : i32
        %broadcast_in_dim3A_182 = vector.broadcast %broadcast_in_dim3A_181 : i32 to vector<16x1xi32>
        %gather3A_183 = vector.shape_cast %broadcast_in_dim3A_182 : vector<16x1xi32> to vector<16xi32>
        %gather3A_184 = tpu.dynamic_gather %get3A_121[%gather3A_183] in [0] : vector<16xi32>, vector<16xi32> -> vector<16xi32>
        %parallel_loop3A = arith.constant 0 : i32
        %parallel_loop3A_185 = arith.constant 64 : i32
        %parallel_loop3A_186 = arith.constant 1 : i32
        scf.for %parallel_loop3A_188 = %parallel_loop3A to %parallel_loop3A_185 step %parallel_loop3A_186  : i32 {
          %parallel_loop3A_189 = arith.constant 8 : i32
          %parallel_loop3A_190 = arith.divsi %parallel_loop3A_188, %parallel_loop3A_189 : i32
          %parallel_loop3A_191 = arith.constant 0 : i32
          %parallel_loop3A_192 = arith.cmpi sgt, %parallel_loop3A_188, %parallel_loop3A_191 : i32
          %parallel_loop3A_193 = arith.extui %parallel_loop3A_192 : i1 to i32
          %parallel_loop3A_194 = arith.constant 0 : i32
          %parallel_loop3A_195 = arith.cmpi slt, %parallel_loop3A_188, %parallel_loop3A_194 : i32
          %parallel_loop3A_196 = arith.extui %parallel_loop3A_195 : i1 to i32
          %parallel_loop3A_197 = arith.subi %parallel_loop3A_193, %parallel_loop3A_196 : i32
          %parallel_loop3A_198 = arith.constant 0 : i32
          %parallel_loop3A_199 = arith.cmpi sgt, %parallel_loop3A_189, %parallel_loop3A_198 : i32
          %parallel_loop3A_200 = arith.extui %parallel_loop3A_199 : i1 to i32
          %parallel_loop3A_201 = arith.constant 0 : i32
          %parallel_loop3A_202 = arith.cmpi slt, %parallel_loop3A_189, %parallel_loop3A_201 : i32
          %parallel_loop3A_203 = arith.extui %parallel_loop3A_202 : i1 to i32
          %parallel_loop3A_204 = arith.subi %parallel_loop3A_200, %parallel_loop3A_203 : i32
          %parallel_loop3A_205 = arith.cmpi ne, %parallel_loop3A_197, %parallel_loop3A_204 : i32
          %parallel_loop3A_206 = arith.remsi %parallel_loop3A_188, %parallel_loop3A_189 : i32
          %parallel_loop3A_207 = arith.constant 0 : i32
          %parallel_loop3A_208 = arith.cmpi ne, %parallel_loop3A_206, %parallel_loop3A_207 : i32
          %parallel_loop3A_209 = arith.andi %parallel_loop3A_205, %parallel_loop3A_208 : i1
          %parallel_loop3A_210 = arith.constant 1 : i32
          %parallel_loop3A_211 = arith.subi %parallel_loop3A_190, %parallel_loop3A_210 : i32
          %parallel_loop3A_212 = arith.select %parallel_loop3A_209, %parallel_loop3A_211, %parallel_loop3A_190 : i32
          %parallel_loop3A_213 = arith.constant 8 : i32
          %parallel_loop3A_214 = arith.constant 0 : i32
          %parallel_loop3A_215 = arith.cmpi eq, %parallel_loop3A_213, %parallel_loop3A_214 : i32
          %parallel_loop3A_216 = arith.constant 1 : i32
          %parallel_loop3A_217 = arith.select %parallel_loop3A_215, %parallel_loop3A_216, %parallel_loop3A_213 : i32
          %parallel_loop3A_218 = arith.remsi %parallel_loop3A_188, %parallel_loop3A_217 : i32
          %parallel_loop3A_219 = arith.constant 0 : i32
          %parallel_loop3A_220 = arith.cmpi ne, %parallel_loop3A_218, %parallel_loop3A_219 : i32
          %parallel_loop3A_221 = arith.constant 0 : i32
          %parallel_loop3A_222 = arith.cmpi slt, %parallel_loop3A_218, %parallel_loop3A_221 : i32
          %parallel_loop3A_223 = arith.constant 0 : i32
          %parallel_loop3A_224 = arith.cmpi slt, %parallel_loop3A_217, %parallel_loop3A_223 : i32
          %parallel_loop3A_225 = arith.xori %parallel_loop3A_222, %parallel_loop3A_224 : i1
          %parallel_loop3A_226 = arith.andi %parallel_loop3A_225, %parallel_loop3A_220 : i1
          %parallel_loop3A_227 = arith.addi %parallel_loop3A_218, %parallel_loop3A_217 : i32
          %parallel_loop3A_228 = arith.select %parallel_loop3A_226, %parallel_loop3A_227, %parallel_loop3A_218 : i32
          %parallel_loop3A_229 = arith.constant 16 : i32
          %parallel_loop3A_230 = arith.muli %parallel_loop3A_228, %parallel_loop3A_229 : i32
          %parallel_loop3A_231 = vector.broadcast %parallel_loop3A_212 : i32 to vector<16xi32>
          %parallel_loop3A_232 = vector.broadcast %parallel_loop3A_230 : i32 to vector<16xi32>
          %parallel_loop3A_233 = arith.addi %iota3A, %parallel_loop3A_232 : vector<16xi32>
          %parallel_loop3A_234 = arith.constant 16 : i32
          %parallel_loop3A_235 = arith.muli %scan3A_116, %parallel_loop3A_234 : i32
          %parallel_loop3A_236 = arith.constant 0 : i32
          %parallel_loop3A_237 = arith.addi %parallel_loop3A_235, %parallel_loop3A_236 : i32
          %parallel_loop3A_238 = arith.index_cast %parallel_loop3A_237 : i32 to index
          %parallel_loop3A_239 = arith.index_cast %parallel_loop3A_212 : i32 to index
          %parallel_loop3A_240 = arith.index_cast %parallel_loop3A_230 : i32 to index
          %parallel_loop3A_241 = tpu.vector_load %arg6[%parallel_loop3A_238, %parallel_loop3A_239, %parallel_loop3A_240] {strides = array<i32>} : memref<32x8x128xf32, #tpu.memory_space<vmem>>, vector<16xf32>,
          tpu.vector_store_idx %arg8[%gather3A_124, %parallel_loop3A_231, %parallel_loop3A_233], %parallel_loop3A_241 {add = true} : memref<16x8x128xf32, #tpu.memory_space<vmem>>[vector<16xi32>, vector<16xi32>, vector<16xi32>], vector<16xf32>,
          %parallel_loop3A_242 = arith.constant 16 : i32
          %parallel_loop3A_243 = arith.muli %scan3A_116, %parallel_loop3A_242 : i32
          %parallel_loop3A_244 = arith.constant 1 : i32
          %parallel_loop3A_245 = arith.addi %parallel_loop3A_243, %parallel_loop3A_244 : i32
          %parallel_loop3A_246 = arith.index_cast %parallel_loop3A_245 : i32 to index
          %parallel_loop3A_247 = arith.index_cast %parallel_loop3A_212 : i32 to index
          %parallel_loop3A_248 = arith.index_cast %parallel_loop3A_230 : i32 to index
          %parallel_loop3A_249 = tpu.vector_load %arg6[%parallel_loop3A_246, %parallel_loop3A_247, %parallel_loop3A_248] {strides = array<i32>} : memref<32x8x128xf32, #tpu.memory_space<vmem>>, vector<16xf32>,
          tpu.vector_store_idx %arg8[%gather3A_128, %parallel_loop3A_231, %parallel_loop3A_233], %parallel_loop3A_249 {add = true} : memref<16x8x128xf32, #tpu.memory_space<vmem>>[vector<16xi32>, vector<16xi32>, vector<16xi32>], vector<16xf32>,
          %parallel_loop3A_250 = arith.constant 16 : i32
          %parallel_loop3A_251 = arith.muli %scan3A_116, %parallel_loop3A_250 : i32
          %parallel_loop3A_252 = arith.constant 2 : i32
          %parallel_loop3A_253 = arith.addi %parallel_loop3A_251, %parallel_loop3A_252 : i32
          %parallel_loop3A_254 = arith.index_cast %parallel_loop3A_253 : i32 to index
          %parallel_loop3A_255 = arith.index_cast %parallel_loop3A_212 : i32 to index
          %parallel_loop3A_256 = arith.index_cast %parallel_loop3A_230 : i32 to index
          %parallel_loop3A_257 = tpu.vector_load %arg6[%parallel_loop3A_254, %parallel_loop3A_255, %parallel_loop3A_256] {strides = array<i32>} : memref<32x8x128xf32, #tpu.memory_space<vmem>>, vector<16xf32>,
          tpu.vector_store_idx %arg8[%gather3A_132, %parallel_loop3A_231, %parallel_loop3A_233], %parallel_loop3A_257 {add = true} : memref<16x8x128xf32, #tpu.memory_space<vmem>>[vector<16xi32>, vector<16xi32>, vector<16xi32>], vector<16xf32>,
          %parallel_loop3A_258 = arith.constant 16 : i32
          %parallel_loop3A_259 = arith.muli %scan3A_116, %parallel_loop3A_258 : i32
          %parallel_loop3A_260 = arith.constant 3 : i32
          %parallel_loop3A_261 = arith.addi %parallel_loop3A_259, %parallel_loop3A_260 : i32
          %parallel_loop3A_262 = arith.index_cast %parallel_loop3A_261 : i32 to index
          %parallel_loop3A_263 = arith.index_cast %parallel_loop3A_212 : i32 to index
          %parallel_loop3A_264 = arith.index_cast %parallel_loop3A_230 : i32 to index
          %parallel_loop3A_265 = tpu.vector_load %arg6[%parallel_loop3A_262, %parallel_loop3A_263, %parallel_loop3A_264] {strides = array<i32>} : memref<32x8x128xf32, #tpu.memory_space<vmem>>, vector<16xf32>,
          tpu.vector_store_idx %arg8[%gather3A_136, %parallel_loop3A_231, %parallel_loop3A_233], %parallel_loop3A_265 {add = true} : memref<16x8x128xf32, #tpu.memory_space<vmem>>[vector<16xi32>, vector<16xi32>, vector<16xi32>], vector<16xf32>,
          %parallel_loop3A_266 = arith.constant 16 : i32
          %parallel_loop3A_267 = arith.muli %scan3A_116, %parallel_loop3A_266 : i32
          %parallel_loop3A_268 = arith.constant 4 : i32
          %parallel_loop3A_269 = arith.addi %parallel_loop3A_267, %parallel_loop3A_268 : i32
          %parallel_loop3A_270 = arith.index_cast %parallel_loop3A_269 : i32 to index
          %parallel_loop3A_271 = arith.index_cast %parallel_loop3A_212 : i32 to index
          %parallel_loop3A_272 = arith.index_cast %parallel_loop3A_230 : i32 to index
          %parallel_loop3A_273 = tpu.vector_load %arg6[%parallel_loop3A_270, %parallel_loop3A_271, %parallel_loop3A_272] {strides = array<i32>} : memref<32x8x128xf32, #tpu.memory_space<vmem>>, vector<16xf32>,
          tpu.vector_store_idx %arg8[%gather3A_140, %parallel_loop3A_231, %parallel_loop3A_233], %parallel_loop3A_273 {add = true} : memref<16x8x128xf32, #tpu.memory_space<vmem>>[vector<16xi32>, vector<16xi32>, vector<16xi32>], vector<16xf32>,
          %parallel_loop3A_274 = arith.constant 16 : i32
          %parallel_loop3A_275 = arith.muli %scan3A_116, %parallel_loop3A_274 : i32
          %parallel_loop3A_276 = arith.constant 5 : i32
          %parallel_loop3A_277 = arith.addi %parallel_loop3A_275, %parallel_loop3A_276 : i32
          %parallel_loop3A_278 = arith.index_cast %parallel_loop3A_277 : i32 to index
          %parallel_loop3A_279 = arith.index_cast %parallel_loop3A_212 : i32 to index
          %parallel_loop3A_280 = arith.index_cast %parallel_loop3A_230 : i32 to index
          %parallel_loop3A_281 = tpu.vector_load %arg6[%parallel_loop3A_278, %parallel_loop3A_279, %parallel_loop3A_280] {strides = array<i32>} : memref<32x8x128xf32, #tpu.memory_space<vmem>>, vector<16xf32>,
          tpu.vector_store_idx %arg8[%gather3A_144, %parallel_loop3A_231, %parallel_loop3A_233], %parallel_loop3A_281 {add = true} : memref<16x8x128xf32, #tpu.memory_space<vmem>>[vector<16xi32>, vector<16xi32>, vector<16xi32>], vector<16xf32>,
          %parallel_loop3A_282 = arith.constant 16 : i32
          %parallel_loop3A_283 = arith.muli %scan3A_116, %parallel_loop3A_282 : i32
          %parallel_loop3A_284 = arith.constant 6 : i32
          %parallel_loop3A_285 = arith.addi %parallel_loop3A_283, %parallel_loop3A_284 : i32
          %parallel_loop3A_286 = arith.index_cast %parallel_loop3A_285 : i32 to index
          %parallel_loop3A_287 = arith.index_cast %parallel_loop3A_212 : i32 to index
          %parallel_loop3A_288 = arith.index_cast %parallel_loop3A_230 : i32 to index
          %parallel_loop3A_289 = tpu.vector_load %arg6[%parallel_loop3A_286, %parallel_loop3A_287, %parallel_loop3A_288] {strides = array<i32>} : memref<32x8x128xf32, #tpu.memory_space<vmem>>, vector<16xf32>,
          tpu.vector_store_idx %arg8[%gather3A_148, %parallel_loop3A_231, %parallel_loop3A_233], %parallel_loop3A_289 {add = true} : memref<16x8x128xf32, #tpu.memory_space<vmem>>[vector<16xi32>, vector<16xi32>, vector<16xi32>], vector<16xf32>,
          %parallel_loop3A_290 = arith.constant 16 : i32
          %parallel_loop3A_291 = arith.muli %scan3A_116, %parallel_loop3A_290 : i32
          %parallel_loop3A_292 = arith.constant 7 : i32
          %parallel_loop3A_293 = arith.addi %parallel_loop3A_291, %parallel_loop3A_292 : i32
          %parallel_loop3A_294 = arith.index_cast %parallel_loop3A_293 : i32 to index
          %parallel_loop3A_295 = arith.index_cast %parallel_loop3A_212 : i32 to index
          %parallel_loop3A_296 = arith.index_cast %parallel_loop3A_230 : i32 to index
          %parallel_loop3A_297 = tpu.vector_load %arg6[%parallel_loop3A_294, %parallel_loop3A_295, %parallel_loop3A_296] {strides = array<i32>} : memref<32x8x128xf32, #tpu.memory_space<vmem>>, vector<16xf32>,
          tpu.vector_store_idx %arg8[%gather3A_152, %parallel_loop3A_231, %parallel_loop3A_233], %parallel_loop3A_297 {add = true} : memref<16x8x128xf32, #tpu.memory_space<vmem>>[vector<16xi32>, vector<16xi32>, vector<16xi32>], vector<16xf32>,
          %parallel_loop3A_298 = arith.constant 16 : i32
          %parallel_loop3A_299 = arith.muli %scan3A_116, %parallel_loop3A_298 : i32
          %parallel_loop3A_300 = arith.constant 8 : i32
          %parallel_loop3A_301 = arith.addi %parallel_loop3A_299, %parallel_loop3A_300 : i32
          %parallel_loop3A_302 = arith.index_cast %parallel_loop3A_301 : i32 to index
          %parallel_loop3A_303 = arith.index_cast %parallel_loop3A_212 : i32 to index
          %parallel_loop3A_304 = arith.index_cast %parallel_loop3A_230 : i32 to index
          %parallel_loop3A_305 = tpu.vector_load %arg6[%parallel_loop3A_302, %parallel_loop3A_303, %parallel_loop3A_304] {strides = array<i32>} : memref<32x8x128xf32, #tpu.memory_space<vmem>>, vector<16xf32>,
          tpu.vector_store_idx %arg8[%gather3A_156, %parallel_loop3A_231, %parallel_loop3A_233], %parallel_loop3A_305 {add = true} : memref<16x8x128xf32, #tpu.memory_space<vmem>>[vector<16xi32>, vector<16xi32>, vector<16xi32>], vector<16xf32>,
          %parallel_loop3A_306 = arith.constant 16 : i32
          %parallel_loop3A_307 = arith.muli %scan3A_116, %parallel_loop3A_306 : i32
          %parallel_loop3A_308 = arith.constant 9 : i32
          %parallel_loop3A_309 = arith.addi %parallel_loop3A_307, %parallel_loop3A_308 : i32
          %parallel_loop3A_310 = arith.index_cast %parallel_loop3A_309 : i32 to index
          %parallel_loop3A_311 = arith.index_cast %parallel_loop3A_212 : i32 to index
          %parallel_loop3A_312 = arith.index_cast %parallel_loop3A_230 : i32 to index
          %parallel_loop3A_313 = tpu.vector_load %arg6[%parallel_loop3A_310, %parallel_loop3A_311, %parallel_loop3A_312] {strides = array<i32>} : memref<32x8x128xf32, #tpu.memory_space<vmem>>, vector<16xf32>,
          tpu.vector_store_idx %arg8[%gather3A_160, %parallel_loop3A_231, %parallel_loop3A_233], %parallel_loop3A_313 {add = true} : memref<16x8x128xf32, #tpu.memory_space<vmem>>[vector<16xi32>, vector<16xi32>, vector<16xi32>], vector<16xf32>,
          %parallel_loop3A_314 = arith.constant 16 : i32
          %parallel_loop3A_315 = arith.muli %scan3A_116, %parallel_loop3A_314 : i32
          %parallel_loop3A_316 = arith.constant 10 : i32
          %parallel_loop3A_317 = arith.addi %parallel_loop3A_315, %parallel_loop3A_316 : i32
          %parallel_loop3A_318 = arith.index_cast %parallel_loop3A_317 : i32 to index
          %parallel_loop3A_319 = arith.index_cast %parallel_loop3A_212 : i32 to index
          %parallel_loop3A_320 = arith.index_cast %parallel_loop3A_230 : i32 to index
          %parallel_loop3A_321 = tpu.vector_load %arg6[%parallel_loop3A_318, %parallel_loop3A_319, %parallel_loop3A_320] {strides = array<i32>} : memref<32x8x128xf32, #tpu.memory_space<vmem>>, vector<16xf32>,
          tpu.vector_store_idx %arg8[%gather3A_164, %parallel_loop3A_231, %parallel_loop3A_233], %parallel_loop3A_321 {add = true} : memref<16x8x128xf32, #tpu.memory_space<vmem>>[vector<16xi32>, vector<16xi32>, vector<16xi32>], vector<16xf32>,
          %parallel_loop3A_322 = arith.constant 16 : i32
          %parallel_loop3A_323 = arith.muli %scan3A_116, %parallel_loop3A_322 : i32
          %parallel_loop3A_324 = arith.constant 11 : i32
          %parallel_loop3A_325 = arith.addi %parallel_loop3A_323, %parallel_loop3A_324 : i32
          %parallel_loop3A_326 = arith.index_cast %parallel_loop3A_325 : i32 to index
          %parallel_loop3A_327 = arith.index_cast %parallel_loop3A_212 : i32 to index
          %parallel_loop3A_328 = arith.index_cast %parallel_loop3A_230 : i32 to index
          %parallel_loop3A_329 = tpu.vector_load %arg6[%parallel_loop3A_326, %parallel_loop3A_327, %parallel_loop3A_328] {strides = array<i32>} : memref<32x8x128xf32, #tpu.memory_space<vmem>>, vector<16xf32>,
          tpu.vector_store_idx %arg8[%gather3A_168, %parallel_loop3A_231, %parallel_loop3A_233], %parallel_loop3A_329 {add = true} : memref<16x8x128xf32, #tpu.memory_space<vmem>>[vector<16xi32>, vector<16xi32>, vector<16xi32>], vector<16xf32>,
          %parallel_loop3A_330 = arith.constant 16 : i32
          %parallel_loop3A_331 = arith.muli %scan3A_116, %parallel_loop3A_330 : i32
          %parallel_loop3A_332 = arith.constant 12 : i32
          %parallel_loop3A_333 = arith.addi %parallel_loop3A_331, %parallel_loop3A_332 : i32
          %parallel_loop3A_334 = arith.index_cast %parallel_loop3A_333 : i32 to index
          %parallel_loop3A_335 = arith.index_cast %parallel_loop3A_212 : i32 to index
          %parallel_loop3A_336 = arith.index_cast %parallel_loop3A_230 : i32 to index
          %parallel_loop3A_337 = tpu.vector_load %arg6[%parallel_loop3A_334, %parallel_loop3A_335, %parallel_loop3A_336] {strides = array<i32>} : memref<32x8x128xf32, #tpu.memory_space<vmem>>, vector<16xf32>,
          tpu.vector_store_idx %arg8[%gather3A_172, %parallel_loop3A_231, %parallel_loop3A_233], %parallel_loop3A_337 {add = true} : memref<16x8x128xf32, #tpu.memory_space<vmem>>[vector<16xi32>, vector<16xi32>, vector<16xi32>], vector<16xf32>,
          %parallel_loop3A_338 = arith.constant 16 : i32
          %parallel_loop3A_339 = arith.muli %scan3A_116, %parallel_loop3A_338 : i32
          %parallel_loop3A_340 = arith.constant 13 : i32
          %parallel_loop3A_341 = arith.addi %parallel_loop3A_339, %parallel_loop3A_340 : i32
          %parallel_loop3A_342 = arith.index_cast %parallel_loop3A_341 : i32 to index
          %parallel_loop3A_343 = arith.index_cast %parallel_loop3A_212 : i32 to index
          %parallel_loop3A_344 = arith.index_cast %parallel_loop3A_230 : i32 to index
          %parallel_loop3A_345 = tpu.vector_load %arg6[%parallel_loop3A_342, %parallel_loop3A_343, %parallel_loop3A_344] {strides = array<i32>} : memref<32x8x128xf32, #tpu.memory_space<vmem>>, vector<16xf32>,
          tpu.vector_store_idx %arg8[%gather3A_176, %parallel_loop3A_231, %parallel_loop3A_233], %parallel_loop3A_345 {add = true} : memref<16x8x128xf32, #tpu.memory_space<vmem>>[vector<16xi32>, vector<16xi32>, vector<16xi32>], vector<16xf32>,
          %parallel_loop3A_346 = arith.constant 16 : i32
          %parallel_loop3A_347 = arith.muli %scan3A_116, %parallel_loop3A_346 : i32
          %parallel_loop3A_348 = arith.constant 14 : i32
          %parallel_loop3A_349 = arith.addi %parallel_loop3A_347, %parallel_loop3A_348 : i32
          %parallel_loop3A_350 = arith.index_cast %parallel_loop3A_349 : i32 to index
          %parallel_loop3A_351 = arith.index_cast %parallel_loop3A_212 : i32 to index
          %parallel_loop3A_352 = arith.index_cast %parallel_loop3A_230 : i32 to index
          %parallel_loop3A_353 = tpu.vector_load %arg6[%parallel_loop3A_350, %parallel_loop3A_351, %parallel_loop3A_352] {strides = array<i32>} : memref<32x8x128xf32, #tpu.memory_space<vmem>>, vector<16xf32>,
          tpu.vector_store_idx %arg8[%gather3A_180, %parallel_loop3A_231, %parallel_loop3A_233], %parallel_loop3A_353 {add = true} : memref<16x8x128xf32, #tpu.memory_space<vmem>>[vector<16xi32>, vector<16xi32>, vector<16xi32>], vector<16xf32>,
          %parallel_loop3A_354 = arith.constant 16 : i32
          %parallel_loop3A_355 = arith.muli %scan3A_116, %parallel_loop3A_354 : i32
          %parallel_loop3A_356 = arith.constant 15 : i32
          %parallel_loop3A_357 = arith.addi %parallel_loop3A_355, %parallel_loop3A_356 : i32
          %parallel_loop3A_358 = arith.index_cast %parallel_loop3A_357 : i32 to index
          %parallel_loop3A_359 = arith.index_cast %parallel_loop3A_212 : i32 to index
          %parallel_loop3A_360 = arith.index_cast %parallel_loop3A_230 : i32 to index
          %parallel_loop3A_361 = tpu.vector_load %arg6[%parallel_loop3A_358, %parallel_loop3A_359, %parallel_loop3A_360] {strides = array<i32>} : memref<32x8x128xf32, #tpu.memory_space<vmem>>, vector<16xf32>,
          tpu.vector_store_idx %arg8[%gather3A_184, %parallel_loop3A_231, %parallel_loop3A_233], %parallel_loop3A_361 {add = true} : memref<16x8x128xf32, #tpu.memory_space<vmem>>[vector<16xi32>, vector<16xi32>, vector<16xi32>], vector<16xf32>,
        } {sc.loop_unroll_factor = 4 : i64, sc.parallel_access}
        %scan3A_187 = arith.constant 0 : i32
        scf.yield %scan3A_187 : i32
      }
      %scan3A_83 = arith.constant 2 : i32
      %add3A_84 = arith.constant 2 : i32
      %add3A_85 = arith.addi %mul3A_67, %add3A_84 : i32
      %lt3A_86 = arith.constant 32 : i32
      %lt3A_87 = arith.cmpi slt, %add3A_85, %lt3A_86 : i32
      %convert_element_type3A = arith.extui %lt3A_87 : i1 to i32
      %cond3A = arith.constant 0 : i32
      %cond3A_88 = arith.cmpi ne, %convert_element_type3A, %cond3A : i32
      scf.if %cond3A_88 {
        %add3A_116 = arith.constant 2 : i32
        %add3A_117 = arith.addi %mul3A_67, %add3A_116 : i32
        %mul3A_118 = arith.constant 32 : i32
        %mul3A_119 = arith.muli %add3A_117, %mul3A_118 : i32
        %add3A_120 = arith.addi %mul3A_32, %mul3A_119 : i32
        %mul3A_121 = arith.constant 8 : i32
        %mul3A_122 = arith.muli %select_n3A_9, %mul3A_121 : i32
        %dma_start3A_123 = arith.constant 0 : i32
        %dma_start3A_124 = tpu.memref_slice %arg2[%add3A_120, %mul3A_122, %dma_start3A_123] : memref<4096x64x128xf32, #tpu.memory_space<hbm>> -> memref<32x8x128xf32, #tpu.memory_space<hbm>>
        %dma_start3A_125 = arith.constant 0 : i32
        %dma_start3A_126 = tpu.memref_slice %arg2[%add3A_120, %mul3A_122, %dma_start3A_125] : memref<4096x64x128xf32, #tpu.memory_space<hbm>> -> memref<32x8x128xf32, #tpu.memory_space<hbm>>
        tpu.enqueue_dma source(%dma_start3A_126 : memref<32x8x128xf32, #tpu.memory_space<hbm>>) target(%arg6 : memref<32x8x128xf32, #tpu.memory_space<vmem>>) target_semaphore(%arg9 : memref<!tpu.dma_semaphore, #tpu.memory_space<semaphore_mem>>)
      } else {
      }
      %dma_wait3A_89 = arith.constant 0 : i32
      %dma_wait3A_90 = arith.constant 0 : i32
      %dma_wait3A_91 = arith.constant 0 : i32
      %dma_wait3A_92 = tpu.memref_slice %arg2[%dma_wait3A_89, %dma_wait3A_90, %dma_wait3A_91] : memref<4096x64x128xf32, #tpu.memory_space<hbm>> -> memref<32x8x128xf32, #tpu.memory_space<hbm>>
      %dma_wait3A_93 = arith.constant 0 : i32
      %dma_wait3A_94 = arith.constant 0 : i32
      %dma_wait3A_95 = arith.constant 0 : i32
      %dma_wait3A_96 = tpu.memref_slice %arg2[%dma_wait3A_93, %dma_wait3A_94, %dma_wait3A_95] : memref<4096x64x128xf32, #tpu.memory_space<hbm>> -> memref<32x8x128xf32, #tpu.memory_space<hbm>>
      tpu.wait_dma2 semaphore(%arg10 : memref<!tpu.dma_semaphore, #tpu.memory_space<semaphore_mem>>) src(%dma_wait3A_96 : memref<32x8x128xf32, #tpu.memory_space<hbm>>) dst(%arg7 : memref<32x8x128xf32, #tpu.memory_space<vmem>>)
      %add3A_97 = arith.constant 1 : i32
      %add3A_98 = arith.addi %mul3A_67, %add3A_97 : i32
      %mul3A_99 = arith.constant 32 : i32
      %mul3A_100 = arith.muli %add3A_98, %mul3A_99 : i32
      %scan3A_101 = arith.constant 0 : i32
      %scan3A_102 = arith.constant 0 : i32
      %scan3A_103 = arith.constant 2 : i32
      %scan3A_104 = arith.addi %scan3A_102, %scan3A_103 : i32
      %scan3A_105 = arith.constant 1 : i32
      %scan3A_106 = scf.for %scan3A_116 = %scan3A_102 to %scan3A_104 step %scan3A_105 iter_args(%scan3A_117 = %scan3A_101) -> (i32)  : i32 {
        %mul3A_118 = arith.constant 16 : i32
        %mul3A_119 = arith.muli %scan3A_116, %mul3A_118 : i32
        %add3A_120 = arith.addi %mul3A_100, %mul3A_119 : i32
        %get3A = arith.index_cast %add3A_120 : i32 to index
        %get3A_121 = tpu.vector_load %arg5[%get3A] {strides = array<i32>} : memref<1024xi32, #tpu.memory_space<vmem>>, vector<16xi32>,
        %broadcast_in_dim3A_122 = arith.constant 0 : i32
        %broadcast_in_dim3A_123 = vector.broadcast %broadcast_in_dim3A_122 : i32 to vector<16x1xi32>
        %gather3A = vector.shape_cast %broadcast_in_dim3A_123 : vector<16x1xi32> to vector<16xi32>
        %gather3A_124 = tpu.dynamic_gather %get3A_121[%gather3A] in [0] : vector<16xi32>, vector<16xi32> -> vector<16xi32>
        %broadcast_in_dim3A_125 = arith.constant 1 : i32
        %broadcast_in_dim3A_126 = vector.broadcast %broadcast_in_dim3A_125 : i32 to vector<16x1xi32>
        %gather3A_127 = vector.shape_cast %broadcast_in_dim3A_126 : vector<16x1xi32> to vector<16xi32>
        %gather3A_128 = tpu.dynamic_gather %get3A_121[%gather3A_127] in [0] : vector<16xi32>, vector<16xi32> -> vector<16xi32>
        %broadcast_in_dim3A_129 = arith.constant 2 : i32
        %broadcast_in_dim3A_130 = vector.broadcast %broadcast_in_dim3A_129 : i32 to vector<16x1xi32>
        %gather3A_131 = vector.shape_cast %broadcast_in_dim3A_130 : vector<16x1xi32> to vector<16xi32>
        %gather3A_132 = tpu.dynamic_gather %get3A_121[%gather3A_131] in [0] : vector<16xi32>, vector<16xi32> -> vector<16xi32>
        %broadcast_in_dim3A_133 = arith.constant 3 : i32
        %broadcast_in_dim3A_134 = vector.broadcast %broadcast_in_dim3A_133 : i32 to vector<16x1xi32>
        %gather3A_135 = vector.shape_cast %broadcast_in_dim3A_134 : vector<16x1xi32> to vector<16xi32>
        %gather3A_136 = tpu.dynamic_gather %get3A_121[%gather3A_135] in [0] : vector<16xi32>, vector<16xi32> -> vector<16xi32>
        %broadcast_in_dim3A_137 = arith.constant 4 : i32
        %broadcast_in_dim3A_138 = vector.broadcast %broadcast_in_dim3A_137 : i32 to vector<16x1xi32>
        %gather3A_139 = vector.shape_cast %broadcast_in_dim3A_138 : vector<16x1xi32> to vector<16xi32>
        %gather3A_140 = tpu.dynamic_gather %get3A_121[%gather3A_139] in [0] : vector<16xi32>, vector<16xi32> -> vector<16xi32>
        %broadcast_in_dim3A_141 = arith.constant 5 : i32
        %broadcast_in_dim3A_142 = vector.broadcast %broadcast_in_dim3A_141 : i32 to vector<16x1xi32>
        %gather3A_143 = vector.shape_cast %broadcast_in_dim3A_142 : vector<16x1xi32> to vector<16xi32>
        %gather3A_144 = tpu.dynamic_gather %get3A_121[%gather3A_143] in [0] : vector<16xi32>, vector<16xi32> -> vector<16xi32>
        %broadcast_in_dim3A_145 = arith.constant 6 : i32
        %broadcast_in_dim3A_146 = vector.broadcast %broadcast_in_dim3A_145 : i32 to vector<16x1xi32>
        %gather3A_147 = vector.shape_cast %broadcast_in_dim3A_146 : vector<16x1xi32> to vector<16xi32>
        %gather3A_148 = tpu.dynamic_gather %get3A_121[%gather3A_147] in [0] : vector<16xi32>, vector<16xi32> -> vector<16xi32>
        %broadcast_in_dim3A_149 = arith.constant 7 : i32
        %broadcast_in_dim3A_150 = vector.broadcast %broadcast_in_dim3A_149 : i32 to vector<16x1xi32>
        %gather3A_151 = vector.shape_cast %broadcast_in_dim3A_150 : vector<16x1xi32> to vector<16xi32>
        %gather3A_152 = tpu.dynamic_gather %get3A_121[%gather3A_151] in [0] : vector<16xi32>, vector<16xi32> -> vector<16xi32>
        %broadcast_in_dim3A_153 = arith.constant 8 : i32
        %broadcast_in_dim3A_154 = vector.broadcast %broadcast_in_dim3A_153 : i32 to vector<16x1xi32>
        %gather3A_155 = vector.shape_cast %broadcast_in_dim3A_154 : vector<16x1xi32> to vector<16xi32>
        %gather3A_156 = tpu.dynamic_gather %get3A_121[%gather3A_155] in [0] : vector<16xi32>, vector<16xi32> -> vector<16xi32>
        %broadcast_in_dim3A_157 = arith.constant 9 : i32
        %broadcast_in_dim3A_158 = vector.broadcast %broadcast_in_dim3A_157 : i32 to vector<16x1xi32>
        %gather3A_159 = vector.shape_cast %broadcast_in_dim3A_158 : vector<16x1xi32> to vector<16xi32>
        %gather3A_160 = tpu.dynamic_gather %get3A_121[%gather3A_159] in [0] : vector<16xi32>, vector<16xi32> -> vector<16xi32>
        %broadcast_in_dim3A_161 = arith.constant 10 : i32
        %broadcast_in_dim3A_162 = vector.broadcast %broadcast_in_dim3A_161 : i32 to vector<16x1xi32>
        %gather3A_163 = vector.shape_cast %broadcast_in_dim3A_162 : vector<16x1xi32> to vector<16xi32>
        %gather3A_164 = tpu.dynamic_gather %get3A_121[%gather3A_163] in [0] : vector<16xi32>, vector<16xi32> -> vector<16xi32>
        %broadcast_in_dim3A_165 = arith.constant 11 : i32
        %broadcast_in_dim3A_166 = vector.broadcast %broadcast_in_dim3A_165 : i32 to vector<16x1xi32>
        %gather3A_167 = vector.shape_cast %broadcast_in_dim3A_166 : vector<16x1xi32> to vector<16xi32>
        %gather3A_168 = tpu.dynamic_gather %get3A_121[%gather3A_167] in [0] : vector<16xi32>, vector<16xi32> -> vector<16xi32>
        %broadcast_in_dim3A_169 = arith.constant 12 : i32
        %broadcast_in_dim3A_170 = vector.broadcast %broadcast_in_dim3A_169 : i32 to vector<16x1xi32>
        %gather3A_171 = vector.shape_cast %broadcast_in_dim3A_170 : vector<16x1xi32> to vector<16xi32>
        %gather3A_172 = tpu.dynamic_gather %get3A_121[%gather3A_171] in [0] : vector<16xi32>, vector<16xi32> -> vector<16xi32>
        %broadcast_in_dim3A_173 = arith.constant 13 : i32
        %broadcast_in_dim3A_174 = vector.broadcast %broadcast_in_dim3A_173 : i32 to vector<16x1xi32>
        %gather3A_175 = vector.shape_cast %broadcast_in_dim3A_174 : vector<16x1xi32> to vector<16xi32>
        %gather3A_176 = tpu.dynamic_gather %get3A_121[%gather3A_175] in [0] : vector<16xi32>, vector<16xi32> -> vector<16xi32>
        %broadcast_in_dim3A_177 = arith.constant 14 : i32
        %broadcast_in_dim3A_178 = vector.broadcast %broadcast_in_dim3A_177 : i32 to vector<16x1xi32>
        %gather3A_179 = vector.shape_cast %broadcast_in_dim3A_178 : vector<16x1xi32> to vector<16xi32>
        %gather3A_180 = tpu.dynamic_gather %get3A_121[%gather3A_179] in [0] : vector<16xi32>, vector<16xi32> -> vector<16xi32>
        %broadcast_in_dim3A_181 = arith.constant 15 : i32
        %broadcast_in_dim3A_182 = vector.broadcast %broadcast_in_dim3A_181 : i32 to vector<16x1xi32>
        %gather3A_183 = vector.shape_cast %broadcast_in_dim3A_182 : vector<16x1xi32> to vector<16xi32>
        %gather3A_184 = tpu.dynamic_gather %get3A_121[%gather3A_183] in [0] : vector<16xi32>, vector<16xi32> -> vector<16xi32>
        %parallel_loop3A = arith.constant 0 : i32
        %parallel_loop3A_185 = arith.constant 64 : i32
        %parallel_loop3A_186 = arith.constant 1 : i32
        scf.for %parallel_loop3A_188 = %parallel_loop3A to %parallel_loop3A_185 step %parallel_loop3A_186  : i32 {
          %parallel_loop3A_189 = arith.constant 8 : i32
          %parallel_loop3A_190 = arith.divsi %parallel_loop3A_188, %parallel_loop3A_189 : i32
          %parallel_loop3A_191 = arith.constant 0 : i32
          %parallel_loop3A_192 = arith.cmpi sgt, %parallel_loop3A_188, %parallel_loop3A_191 : i32
          %parallel_loop3A_193 = arith.extui %parallel_loop3A_192 : i1 to i32
          %parallel_loop3A_194 = arith.constant 0 : i32
          %parallel_loop3A_195 = arith.cmpi slt, %parallel_loop3A_188, %parallel_loop3A_194 : i32
          %parallel_loop3A_196 = arith.extui %parallel_loop3A_195 : i1 to i32
          %parallel_loop3A_197 = arith.subi %parallel_loop3A_193, %parallel_loop3A_196 : i32
          %parallel_loop3A_198 = arith.constant 0 : i32
          %parallel_loop3A_199 = arith.cmpi sgt, %parallel_loop3A_189, %parallel_loop3A_198 : i32
          %parallel_loop3A_200 = arith.extui %parallel_loop3A_199 : i1 to i32
          %parallel_loop3A_201 = arith.constant 0 : i32
          %parallel_loop3A_202 = arith.cmpi slt, %parallel_loop3A_189, %parallel_loop3A_201 : i32
          %parallel_loop3A_203 = arith.extui %parallel_loop3A_202 : i1 to i32
          %parallel_loop3A_204 = arith.subi %parallel_loop3A_200, %parallel_loop3A_203 : i32
          %parallel_loop3A_205 = arith.cmpi ne, %parallel_loop3A_197, %parallel_loop3A_204 : i32
          %parallel_loop3A_206 = arith.remsi %parallel_loop3A_188, %parallel_loop3A_189 : i32
          %parallel_loop3A_207 = arith.constant 0 : i32
          %parallel_loop3A_208 = arith.cmpi ne, %parallel_loop3A_206, %parallel_loop3A_207 : i32
          %parallel_loop3A_209 = arith.andi %parallel_loop3A_205, %parallel_loop3A_208 : i1
          %parallel_loop3A_210 = arith.constant 1 : i32
          %parallel_loop3A_211 = arith.subi %parallel_loop3A_190, %parallel_loop3A_210 : i32
          %parallel_loop3A_212 = arith.select %parallel_loop3A_209, %parallel_loop3A_211, %parallel_loop3A_190 : i32
          %parallel_loop3A_213 = arith.constant 8 : i32
          %parallel_loop3A_214 = arith.constant 0 : i32
          %parallel_loop3A_215 = arith.cmpi eq, %parallel_loop3A_213, %parallel_loop3A_214 : i32
          %parallel_loop3A_216 = arith.constant 1 : i32
          %parallel_loop3A_217 = arith.select %parallel_loop3A_215, %parallel_loop3A_216, %parallel_loop3A_213 : i32
          %parallel_loop3A_218 = arith.remsi %parallel_loop3A_188, %parallel_loop3A_217 : i32
          %parallel_loop3A_219 = arith.constant 0 : i32
          %parallel_loop3A_220 = arith.cmpi ne, %parallel_loop3A_218, %parallel_loop3A_219 : i32
          %parallel_loop3A_221 = arith.constant 0 : i32
          %parallel_loop3A_222 = arith.cmpi slt, %parallel_loop3A_218, %parallel_loop3A_221 : i32
          %parallel_loop3A_223 = arith.constant 0 : i32
          %parallel_loop3A_224 = arith.cmpi slt, %parallel_loop3A_217, %parallel_loop3A_223 : i32
          %parallel_loop3A_225 = arith.xori %parallel_loop3A_222, %parallel_loop3A_224 : i1
          %parallel_loop3A_226 = arith.andi %parallel_loop3A_225, %parallel_loop3A_220 : i1
          %parallel_loop3A_227 = arith.addi %parallel_loop3A_218, %parallel_loop3A_217 : i32
          %parallel_loop3A_228 = arith.select %parallel_loop3A_226, %parallel_loop3A_227, %parallel_loop3A_218 : i32
          %parallel_loop3A_229 = arith.constant 16 : i32
          %parallel_loop3A_230 = arith.muli %parallel_loop3A_228, %parallel_loop3A_229 : i32
          %parallel_loop3A_231 = vector.broadcast %parallel_loop3A_212 : i32 to vector<16xi32>
          %parallel_loop3A_232 = vector.broadcast %parallel_loop3A_230 : i32 to vector<16xi32>
          %parallel_loop3A_233 = arith.addi %iota3A, %parallel_loop3A_232 : vector<16xi32>
          %parallel_loop3A_234 = arith.constant 16 : i32
          %parallel_loop3A_235 = arith.muli %scan3A_116, %parallel_loop3A_234 : i32
          %parallel_loop3A_236 = arith.constant 0 : i32
          %parallel_loop3A_237 = arith.addi %parallel_loop3A_235, %parallel_loop3A_236 : i32
          %parallel_loop3A_238 = arith.index_cast %parallel_loop3A_237 : i32 to index
          %parallel_loop3A_239 = arith.index_cast %parallel_loop3A_212 : i32 to index
          %parallel_loop3A_240 = arith.index_cast %parallel_loop3A_230 : i32 to index
          %parallel_loop3A_241 = tpu.vector_load %arg7[%parallel_loop3A_238, %parallel_loop3A_239, %parallel_loop3A_240] {strides = array<i32>} : memref<32x8x128xf32, #tpu.memory_space<vmem>>, vector<16xf32>,
          tpu.vector_store_idx %arg8[%gather3A_124, %parallel_loop3A_231, %parallel_loop3A_233], %parallel_loop3A_241 {add = true} : memref<16x8x128xf32, #tpu.memory_space<vmem>>[vector<16xi32>, vector<16xi32>, vector<16xi32>], vector<16xf32>,
          %parallel_loop3A_242 = arith.constant 16 : i32
          %parallel_loop3A_243 = arith.muli %scan3A_116, %parallel_loop3A_242 : i32
          %parallel_loop3A_244 = arith.constant 1 : i32
          %parallel_loop3A_245 = arith.addi %parallel_loop3A_243, %parallel_loop3A_244 : i32
          %parallel_loop3A_246 = arith.index_cast %parallel_loop3A_245 : i32 to index
          %parallel_loop3A_247 = arith.index_cast %parallel_loop3A_212 : i32 to index
          %parallel_loop3A_248 = arith.index_cast %parallel_loop3A_230 : i32 to index
          %parallel_loop3A_249 = tpu.vector_load %arg7[%parallel_loop3A_246, %parallel_loop3A_247, %parallel_loop3A_248] {strides = array<i32>} : memref<32x8x128xf32, #tpu.memory_space<vmem>>, vector<16xf32>,
          tpu.vector_store_idx %arg8[%gather3A_128, %parallel_loop3A_231, %parallel_loop3A_233], %parallel_loop3A_249 {add = true} : memref<16x8x128xf32, #tpu.memory_space<vmem>>[vector<16xi32>, vector<16xi32>, vector<16xi32>], vector<16xf32>,
          %parallel_loop3A_250 = arith.constant 16 : i32
          %parallel_loop3A_251 = arith.muli %scan3A_116, %parallel_loop3A_250 : i32
          %parallel_loop3A_252 = arith.constant 2 : i32
          %parallel_loop3A_253 = arith.addi %parallel_loop3A_251, %parallel_loop3A_252 : i32
          %parallel_loop3A_254 = arith.index_cast %parallel_loop3A_253 : i32 to index
          %parallel_loop3A_255 = arith.index_cast %parallel_loop3A_212 : i32 to index
          %parallel_loop3A_256 = arith.index_cast %parallel_loop3A_230 : i32 to index
          %parallel_loop3A_257 = tpu.vector_load %arg7[%parallel_loop3A_254, %parallel_loop3A_255, %parallel_loop3A_256] {strides = array<i32>} : memref<32x8x128xf32, #tpu.memory_space<vmem>>, vector<16xf32>,
          tpu.vector_store_idx %arg8[%gather3A_132, %parallel_loop3A_231, %parallel_loop3A_233], %parallel_loop3A_257 {add = true} : memref<16x8x128xf32, #tpu.memory_space<vmem>>[vector<16xi32>, vector<16xi32>, vector<16xi32>], vector<16xf32>,
          %parallel_loop3A_258 = arith.constant 16 : i32
          %parallel_loop3A_259 = arith.muli %scan3A_116, %parallel_loop3A_258 : i32
          %parallel_loop3A_260 = arith.constant 3 : i32
          %parallel_loop3A_261 = arith.addi %parallel_loop3A_259, %parallel_loop3A_260 : i32
          %parallel_loop3A_262 = arith.index_cast %parallel_loop3A_261 : i32 to index
          %parallel_loop3A_263 = arith.index_cast %parallel_loop3A_212 : i32 to index
          %parallel_loop3A_264 = arith.index_cast %parallel_loop3A_230 : i32 to index
          %parallel_loop3A_265 = tpu.vector_load %arg7[%parallel_loop3A_262, %parallel_loop3A_263, %parallel_loop3A_264] {strides = array<i32>} : memref<32x8x128xf32, #tpu.memory_space<vmem>>, vector<16xf32>,
          tpu.vector_store_idx %arg8[%gather3A_136, %parallel_loop3A_231, %parallel_loop3A_233], %parallel_loop3A_265 {add = true} : memref<16x8x128xf32, #tpu.memory_space<vmem>>[vector<16xi32>, vector<16xi32>, vector<16xi32>], vector<16xf32>,
          %parallel_loop3A_266 = arith.constant 16 : i32
          %parallel_loop3A_267 = arith.muli %scan3A_116, %parallel_loop3A_266 : i32
          %parallel_loop3A_268 = arith.constant 4 : i32
          %parallel_loop3A_269 = arith.addi %parallel_loop3A_267, %parallel_loop3A_268 : i32
          %parallel_loop3A_270 = arith.index_cast %parallel_loop3A_269 : i32 to index
          %parallel_loop3A_271 = arith.index_cast %parallel_loop3A_212 : i32 to index
          %parallel_loop3A_272 = arith.index_cast %parallel_loop3A_230 : i32 to index
          %parallel_loop3A_273 = tpu.vector_load %arg7[%parallel_loop3A_270, %parallel_loop3A_271, %parallel_loop3A_272] {strides = array<i32>} : memref<32x8x128xf32, #tpu.memory_space<vmem>>, vector<16xf32>,
          tpu.vector_store_idx %arg8[%gather3A_140, %parallel_loop3A_231, %parallel_loop3A_233], %parallel_loop3A_273 {add = true} : memref<16x8x128xf32, #tpu.memory_space<vmem>>[vector<16xi32>, vector<16xi32>, vector<16xi32>], vector<16xf32>,
          %parallel_loop3A_274 = arith.constant 16 : i32
          %parallel_loop3A_275 = arith.muli %scan3A_116, %parallel_loop3A_274 : i32
          %parallel_loop3A_276 = arith.constant 5 : i32
          %parallel_loop3A_277 = arith.addi %parallel_loop3A_275, %parallel_loop3A_276 : i32
          %parallel_loop3A_278 = arith.index_cast %parallel_loop3A_277 : i32 to index
          %parallel_loop3A_279 = arith.index_cast %parallel_loop3A_212 : i32 to index
          %parallel_loop3A_280 = arith.index_cast %parallel_loop3A_230 : i32 to index
          %parallel_loop3A_281 = tpu.vector_load %arg7[%parallel_loop3A_278, %parallel_loop3A_279, %parallel_loop3A_280] {strides = array<i32>} : memref<32x8x128xf32, #tpu.memory_space<vmem>>, vector<16xf32>,
          tpu.vector_store_idx %arg8[%gather3A_144, %parallel_loop3A_231, %parallel_loop3A_233], %parallel_loop3A_281 {add = true} : memref<16x8x128xf32, #tpu.memory_space<vmem>>[vector<16xi32>, vector<16xi32>, vector<16xi32>], vector<16xf32>,
          %parallel_loop3A_282 = arith.constant 16 : i32
          %parallel_loop3A_283 = arith.muli %scan3A_116, %parallel_loop3A_282 : i32
          %parallel_loop3A_284 = arith.constant 6 : i32
          %parallel_loop3A_285 = arith.addi %parallel_loop3A_283, %parallel_loop3A_284 : i32
          %parallel_loop3A_286 = arith.index_cast %parallel_loop3A_285 : i32 to index
          %parallel_loop3A_287 = arith.index_cast %parallel_loop3A_212 : i32 to index
          %parallel_loop3A_288 = arith.index_cast %parallel_loop3A_230 : i32 to index
          %parallel_loop3A_289 = tpu.vector_load %arg7[%parallel_loop3A_286, %parallel_loop3A_287, %parallel_loop3A_288] {strides = array<i32>} : memref<32x8x128xf32, #tpu.memory_space<vmem>>, vector<16xf32>,
          tpu.vector_store_idx %arg8[%gather3A_148, %parallel_loop3A_231, %parallel_loop3A_233], %parallel_loop3A_289 {add = true} : memref<16x8x128xf32, #tpu.memory_space<vmem>>[vector<16xi32>, vector<16xi32>, vector<16xi32>], vector<16xf32>,
          %parallel_loop3A_290 = arith.constant 16 : i32
          %parallel_loop3A_291 = arith.muli %scan3A_116, %parallel_loop3A_290 : i32
          %parallel_loop3A_292 = arith.constant 7 : i32
          %parallel_loop3A_293 = arith.addi %parallel_loop3A_291, %parallel_loop3A_292 : i32
          %parallel_loop3A_294 = arith.index_cast %parallel_loop3A_293 : i32 to index
          %parallel_loop3A_295 = arith.index_cast %parallel_loop3A_212 : i32 to index
          %parallel_loop3A_296 = arith.index_cast %parallel_loop3A_230 : i32 to index
          %parallel_loop3A_297 = tpu.vector_load %arg7[%parallel_loop3A_294, %parallel_loop3A_295, %parallel_loop3A_296] {strides = array<i32>} : memref<32x8x128xf32, #tpu.memory_space<vmem>>, vector<16xf32>,
          tpu.vector_store_idx %arg8[%gather3A_152, %parallel_loop3A_231, %parallel_loop3A_233], %parallel_loop3A_297 {add = true} : memref<16x8x128xf32, #tpu.memory_space<vmem>>[vector<16xi32>, vector<16xi32>, vector<16xi32>], vector<16xf32>,
          %parallel_loop3A_298 = arith.constant 16 : i32
          %parallel_loop3A_299 = arith.muli %scan3A_116, %parallel_loop3A_298 : i32
          %parallel_loop3A_300 = arith.constant 8 : i32
          %parallel_loop3A_301 = arith.addi %parallel_loop3A_299, %parallel_loop3A_300 : i32
          %parallel_loop3A_302 = arith.index_cast %parallel_loop3A_301 : i32 to index
          %parallel_loop3A_303 = arith.index_cast %parallel_loop3A_212 : i32 to index
          %parallel_loop3A_304 = arith.index_cast %parallel_loop3A_230 : i32 to index
          %parallel_loop3A_305 = tpu.vector_load %arg7[%parallel_loop3A_302, %parallel_loop3A_303, %parallel_loop3A_304] {strides = array<i32>} : memref<32x8x128xf32, #tpu.memory_space<vmem>>, vector<16xf32>,
          tpu.vector_store_idx %arg8[%gather3A_156, %parallel_loop3A_231, %parallel_loop3A_233], %parallel_loop3A_305 {add = true} : memref<16x8x128xf32, #tpu.memory_space<vmem>>[vector<16xi32>, vector<16xi32>, vector<16xi32>], vector<16xf32>,
          %parallel_loop3A_306 = arith.constant 16 : i32
          %parallel_loop3A_307 = arith.muli %scan3A_116, %parallel_loop3A_306 : i32
          %parallel_loop3A_308 = arith.constant 9 : i32
          %parallel_loop3A_309 = arith.addi %parallel_loop3A_307, %parallel_loop3A_308 : i32
          %parallel_loop3A_310 = arith.index_cast %parallel_loop3A_309 : i32 to index
          %parallel_loop3A_311 = arith.index_cast %parallel_loop3A_212 : i32 to index
          %parallel_loop3A_312 = arith.index_cast %parallel_loop3A_230 : i32 to index
          %parallel_loop3A_313 = tpu.vector_load %arg7[%parallel_loop3A_310, %parallel_loop3A_311, %parallel_loop3A_312] {strides = array<i32>} : memref<32x8x128xf32, #tpu.memory_space<vmem>>, vector<16xf32>,
          tpu.vector_store_idx %arg8[%gather3A_160, %parallel_loop3A_231, %parallel_loop3A_233], %parallel_loop3A_313 {add = true} : memref<16x8x128xf32, #tpu.memory_space<vmem>>[vector<16xi32>, vector<16xi32>, vector<16xi32>], vector<16xf32>,
          %parallel_loop3A_314 = arith.constant 16 : i32
          %parallel_loop3A_315 = arith.muli %scan3A_116, %parallel_loop3A_314 : i32
          %parallel_loop3A_316 = arith.constant 10 : i32
          %parallel_loop3A_317 = arith.addi %parallel_loop3A_315, %parallel_loop3A_316 : i32
          %parallel_loop3A_318 = arith.index_cast %parallel_loop3A_317 : i32 to index
          %parallel_loop3A_319 = arith.index_cast %parallel_loop3A_212 : i32 to index
          %parallel_loop3A_320 = arith.index_cast %parallel_loop3A_230 : i32 to index
          %parallel_loop3A_321 = tpu.vector_load %arg7[%parallel_loop3A_318, %parallel_loop3A_319, %parallel_loop3A_320] {strides = array<i32>} : memref<32x8x128xf32, #tpu.memory_space<vmem>>, vector<16xf32>,
          tpu.vector_store_idx %arg8[%gather3A_164, %parallel_loop3A_231, %parallel_loop3A_233], %parallel_loop3A_321 {add = true} : memref<16x8x128xf32, #tpu.memory_space<vmem>>[vector<16xi32>, vector<16xi32>, vector<16xi32>], vector<16xf32>,
          %parallel_loop3A_322 = arith.constant 16 : i32
          %parallel_loop3A_323 = arith.muli %scan3A_116, %parallel_loop3A_322 : i32
          %parallel_loop3A_324 = arith.constant 11 : i32
          %parallel_loop3A_325 = arith.addi %parallel_loop3A_323, %parallel_loop3A_324 : i32
          %parallel_loop3A_326 = arith.index_cast %parallel_loop3A_325 : i32 to index
          %parallel_loop3A_327 = arith.index_cast %parallel_loop3A_212 : i32 to index
          %parallel_loop3A_328 = arith.index_cast %parallel_loop3A_230 : i32 to index
          %parallel_loop3A_329 = tpu.vector_load %arg7[%parallel_loop3A_326, %parallel_loop3A_327, %parallel_loop3A_328] {strides = array<i32>} : memref<32x8x128xf32, #tpu.memory_space<vmem>>, vector<16xf32>,
          tpu.vector_store_idx %arg8[%gather3A_168, %parallel_loop3A_231, %parallel_loop3A_233], %parallel_loop3A_329 {add = true} : memref<16x8x128xf32, #tpu.memory_space<vmem>>[vector<16xi32>, vector<16xi32>, vector<16xi32>], vector<16xf32>,
          %parallel_loop3A_330 = arith.constant 16 : i32
          %parallel_loop3A_331 = arith.muli %scan3A_116, %parallel_loop3A_330 : i32
          %parallel_loop3A_332 = arith.constant 12 : i32
          %parallel_loop3A_333 = arith.addi %parallel_loop3A_331, %parallel_loop3A_332 : i32
          %parallel_loop3A_334 = arith.index_cast %parallel_loop3A_333 : i32 to index
          %parallel_loop3A_335 = arith.index_cast %parallel_loop3A_212 : i32 to index
          %parallel_loop3A_336 = arith.index_cast %parallel_loop3A_230 : i32 to index
          %parallel_loop3A_337 = tpu.vector_load %arg7[%parallel_loop3A_334, %parallel_loop3A_335, %parallel_loop3A_336] {strides = array<i32>} : memref<32x8x128xf32, #tpu.memory_space<vmem>>, vector<16xf32>,
          tpu.vector_store_idx %arg8[%gather3A_172, %parallel_loop3A_231, %parallel_loop3A_233], %parallel_loop3A_337 {add = true} : memref<16x8x128xf32, #tpu.memory_space<vmem>>[vector<16xi32>, vector<16xi32>, vector<16xi32>], vector<16xf32>,
          %parallel_loop3A_338 = arith.constant 16 : i32
          %parallel_loop3A_339 = arith.muli %scan3A_116, %parallel_loop3A_338 : i32
          %parallel_loop3A_340 = arith.constant 13 : i32
          %parallel_loop3A_341 = arith.addi %parallel_loop3A_339, %parallel_loop3A_340 : i32
          %parallel_loop3A_342 = arith.index_cast %parallel_loop3A_341 : i32 to index
          %parallel_loop3A_343 = arith.index_cast %parallel_loop3A_212 : i32 to index
          %parallel_loop3A_344 = arith.index_cast %parallel_loop3A_230 : i32 to index
          %parallel_loop3A_345 = tpu.vector_load %arg7[%parallel_loop3A_342, %parallel_loop3A_343, %parallel_loop3A_344] {strides = array<i32>} : memref<32x8x128xf32, #tpu.memory_space<vmem>>, vector<16xf32>,
          tpu.vector_store_idx %arg8[%gather3A_176, %parallel_loop3A_231, %parallel_loop3A_233], %parallel_loop3A_345 {add = true} : memref<16x8x128xf32, #tpu.memory_space<vmem>>[vector<16xi32>, vector<16xi32>, vector<16xi32>], vector<16xf32>,
          %parallel_loop3A_346 = arith.constant 16 : i32
          %parallel_loop3A_347 = arith.muli %scan3A_116, %parallel_loop3A_346 : i32
          %parallel_loop3A_348 = arith.constant 14 : i32
          %parallel_loop3A_349 = arith.addi %parallel_loop3A_347, %parallel_loop3A_348 : i32
          %parallel_loop3A_350 = arith.index_cast %parallel_loop3A_349 : i32 to index
          %parallel_loop3A_351 = arith.index_cast %parallel_loop3A_212 : i32 to index
          %parallel_loop3A_352 = arith.index_cast %parallel_loop3A_230 : i32 to index
          %parallel_loop3A_353 = tpu.vector_load %arg7[%parallel_loop3A_350, %parallel_loop3A_351, %parallel_loop3A_352] {strides = array<i32>} : memref<32x8x128xf32, #tpu.memory_space<vmem>>, vector<16xf32>,
          tpu.vector_store_idx %arg8[%gather3A_180, %parallel_loop3A_231, %parallel_loop3A_233], %parallel_loop3A_353 {add = true} : memref<16x8x128xf32, #tpu.memory_space<vmem>>[vector<16xi32>, vector<16xi32>, vector<16xi32>], vector<16xf32>,
          %parallel_loop3A_354 = arith.constant 16 : i32
          %parallel_loop3A_355 = arith.muli %scan3A_116, %parallel_loop3A_354 : i32
          %parallel_loop3A_356 = arith.constant 15 : i32
          %parallel_loop3A_357 = arith.addi %parallel_loop3A_355, %parallel_loop3A_356 : i32
          %parallel_loop3A_358 = arith.index_cast %parallel_loop3A_357 : i32 to index
          %parallel_loop3A_359 = arith.index_cast %parallel_loop3A_212 : i32 to index
          %parallel_loop3A_360 = arith.index_cast %parallel_loop3A_230 : i32 to index
          %parallel_loop3A_361 = tpu.vector_load %arg7[%parallel_loop3A_358, %parallel_loop3A_359, %parallel_loop3A_360] {strides = array<i32>} : memref<32x8x128xf32, #tpu.memory_space<vmem>>, vector<16xf32>,
          tpu.vector_store_idx %arg8[%gather3A_184, %parallel_loop3A_231, %parallel_loop3A_233], %parallel_loop3A_361 {add = true} : memref<16x8x128xf32, #tpu.memory_space<vmem>>[vector<16xi32>, vector<16xi32>, vector<16xi32>], vector<16xf32>,
        } {sc.loop_unroll_factor = 4 : i64, sc.parallel_access}
        %scan3A_187 = arith.constant 0 : i32
        scf.yield %scan3A_187 : i32
      }
      %scan3A_107 = arith.constant 2 : i32
      %add3A_108 = arith.constant 3 : i32
      %add3A_109 = arith.addi %mul3A_67, %add3A_108 : i32
      %lt3A_110 = arith.constant 32 : i32
      %lt3A_111 = arith.cmpi slt, %add3A_109, %lt3A_110 : i32
      %convert_element_type3A_112 = arith.extui %lt3A_111 : i1 to i32
      %cond3A_113 = arith.constant 0 : i32
      %cond3A_114 = arith.cmpi ne, %convert_element_type3A_112, %cond3A_113 : i32
      scf.if %cond3A_114 {
        %add3A_116 = arith.constant 3 : i32
        %add3A_117 = arith.addi %mul3A_67, %add3A_116 : i32
        %mul3A_118 = arith.constant 32 : i32
        %mul3A_119 = arith.muli %add3A_117, %mul3A_118 : i32
        %add3A_120 = arith.addi %mul3A_32, %mul3A_119 : i32
        %mul3A_121 = arith.constant 8 : i32
        %mul3A_122 = arith.muli %select_n3A_9, %mul3A_121 : i32
        %dma_start3A_123 = arith.constant 0 : i32
        %dma_start3A_124 = tpu.memref_slice %arg2[%add3A_120, %mul3A_122, %dma_start3A_123] : memref<4096x64x128xf32, #tpu.memory_space<hbm>> -> memref<32x8x128xf32, #tpu.memory_space<hbm>>
        %dma_start3A_125 = arith.constant 0 : i32
        %dma_start3A_126 = tpu.memref_slice %arg2[%add3A_120, %mul3A_122, %dma_start3A_125] : memref<4096x64x128xf32, #tpu.memory_space<hbm>> -> memref<32x8x128xf32, #tpu.memory_space<hbm>>
        tpu.enqueue_dma source(%dma_start3A_126 : memref<32x8x128xf32, #tpu.memory_space<hbm>>) target(%arg7 : memref<32x8x128xf32, #tpu.memory_space<vmem>>) target_semaphore(%arg10 : memref<!tpu.dma_semaphore, #tpu.memory_space<semaphore_mem>>)
      } else {
      }
      %scan3A_115 = arith.constant 0 : i32
      scf.yield %scan3A_115 : i32
    }
    %scan3A_61 = arith.constant 16 : i32
    %mul3A_62 = arith.constant 8 : i32
    %mul3A_63 = arith.muli %select_n3A_9, %mul3A_62 : i32
    "tpu.region"() ({
      %run_scoped3A = tpu.sem_alloc : memref<!tpu.dma_semaphore, #tpu.memory_space<semaphore_mem>>
      %dma_start3A_64 = arith.constant 0 : i32
      %dma_start3A_65 = arith.constant 0 : i32
      %dma_start3A_66 = tpu.memref_slice %arg4[%select_n3A_30, %dma_start3A_64, %mul3A_63, %dma_start3A_65] : memref<4x16x64x128xf32, #tpu.memory_space<hbm>> -> memref<1x16x8x128xf32, #tpu.memory_space<hbm>>
      %dma_start3A_67 = tpu.memref_squeeze %dma_start3A_66 : memref<1x16x8x128xf32, #tpu.memory_space<hbm>> -> memref<16x8x128xf32, #tpu.memory_space<hbm>>
      %dma_start3A_68 = arith.constant 0 : i32
      %dma_start3A_69 = arith.constant 0 : i32
      %dma_start3A_70 = tpu.memref_slice %arg4[%select_n3A_30, %dma_start3A_68, %mul3A_63, %dma_start3A_69] : memref<4x16x64x128xf32, #tpu.memory_space<hbm>> -> memref<1x16x8x128xf32, #tpu.memory_space<hbm>>
      %dma_start3A_71 = tpu.memref_squeeze %dma_start3A_70 : memref<1x16x8x128xf32, #tpu.memory_space<hbm>> -> memref<16x8x128xf32, #tpu.memory_space<hbm>>
      tpu.enqueue_dma source(%arg8 : memref<16x8x128xf32, #tpu.memory_space<vmem>>) target(%dma_start3A_71 : memref<16x8x128xf32, #tpu.memory_space<hbm>>) target_semaphore(%run_scoped3A : memref<!tpu.dma_semaphore, #tpu.memory_space<semaphore_mem>>)
      %dma_wait3A = arith.constant 0 : i32
      %dma_wait3A_72 = arith.constant 0 : i32
      %dma_wait3A_73 = tpu.memref_slice %arg4[%select_n3A_30, %dma_wait3A, %mul3A_63, %dma_wait3A_72] : memref<4x16x64x128xf32, #tpu.memory_space<hbm>> -> memref<1x16x8x128xf32, #tpu.memory_space<hbm>>
      %dma_wait3A_74 = tpu.memref_squeeze %dma_wait3A_73 : memref<1x16x8x128xf32, #tpu.memory_space<hbm>> -> memref<16x8x128xf32, #tpu.memory_space<hbm>>
      %dma_wait3A_75 = arith.constant 0 : i32
      %dma_wait3A_76 = arith.constant 0 : i32
      %dma_wait3A_77 = tpu.memref_slice %arg4[%select_n3A_30, %dma_wait3A_75, %mul3A_63, %dma_wait3A_76] : memref<4x16x64x128xf32, #tpu.memory_space<hbm>> -> memref<1x16x8x128xf32, #tpu.memory_space<hbm>>
      %dma_wait3A_78 = tpu.memref_squeeze %dma_wait3A_77 : memref<1x16x8x128xf32, #tpu.memory_space<hbm>> -> memref<16x8x128xf32, #tpu.memory_space<hbm>>
      tpu.wait_dma2 semaphore(%run_scoped3A : memref<!tpu.dma_semaphore, #tpu.memory_space<semaphore_mem>>) src(%arg8 : memref<16x8x128xf32, #tpu.memory_space<vmem>>) dst(%dma_wait3A_78 : memref<16x8x128xf32, #tpu.memory_space<hbm>>)
      tpu.yield
    }) : () -> ()
    return
  }
}

module attributes {stable_mosaic.version = 14 : i64} {
  func.func @_tc_body(%arg0: memref<4x16x64x128xf32, #tpu.memory_space<vmem>>, %arg1: memref<32x128xi32, #tpu.memory_space<vmem>>, %arg2: memref<1x1xf32, #tpu.memory_space<vmem>>) attributes {dimension_semantics = [], scalar_prefetch = 0 : i64, scratch_operands = 0 : i64, tpu.core_type = #tpu.core_type<tc>} {
    %get3A = arith.constant 0 : index
    %get3A_0 = arith.constant 0 : index
    %get3A_1 = arith.constant 0 : index
    %get3A_2 = arith.constant 0 : index
    %get3A_3 = vector.load %arg0[%get3A, %get3A_0, %get3A_1, %get3A_2] : memref<4x16x64x128xf32, #tpu.memory_space<vmem>>, vector<4x16x64x128xf32>
    %slice3A = vector.extract_strided_slice %get3A_3 {offsets = [0, 0, 0, 0], sizes = [1, 16, 64, 128], strides = [1, 1, 1, 1]} : vector<4x16x64x128xf32> to vector<1x16x64x128xf32>
    %squeeze3A = vector.shape_cast %slice3A : vector<1x16x64x128xf32> to vector<16x64x128xf32>
    %slice3A_4 = vector.extract_strided_slice %get3A_3 {offsets = [1, 0, 0, 0], sizes = [1, 16, 64, 128], strides = [1, 1, 1, 1]} : vector<4x16x64x128xf32> to vector<1x16x64x128xf32>
    %squeeze3A_5 = vector.shape_cast %slice3A_4 : vector<1x16x64x128xf32> to vector<16x64x128xf32>
    %add3A = arith.addf %squeeze3A, %squeeze3A_5 : vector<16x64x128xf32>
    %slice3A_6 = vector.extract_strided_slice %get3A_3 {offsets = [2, 0, 0, 0], sizes = [1, 16, 64, 128], strides = [1, 1, 1, 1]} : vector<4x16x64x128xf32> to vector<1x16x64x128xf32>
    %squeeze3A_7 = vector.shape_cast %slice3A_6 : vector<1x16x64x128xf32> to vector<16x64x128xf32>
    %slice3A_8 = vector.extract_strided_slice %get3A_3 {offsets = [3, 0, 0, 0], sizes = [1, 16, 64, 128], strides = [1, 1, 1, 1]} : vector<4x16x64x128xf32> to vector<1x16x64x128xf32>
    %squeeze3A_9 = vector.shape_cast %slice3A_8 : vector<1x16x64x128xf32> to vector<16x64x128xf32>
    %add3A_10 = arith.addf %squeeze3A_7, %squeeze3A_9 : vector<16x64x128xf32>
    %add3A_11 = arith.addf %add3A, %add3A_10 : vector<16x64x128xf32>
    %reshape3A = vector.shape_cast %add3A_11 : vector<16x64x128xf32> to vector<16x8192xf32>
    %get3A_12 = arith.constant 0 : index
    %get3A_13 = arith.constant 0 : index
    %get3A_14 = vector.load %arg1[%get3A_12, %get3A_13] : memref<32x128xi32, #tpu.memory_space<vmem>>, vector<32x128xi32>
    %broadcast_in_dim3A = vector.shape_cast %get3A_14 : vector<32x128xi32> to vector<1x32x128xi32>
    %iota3A = tpu.iota {dimensions = array<i32: 0>} : vector<16x32x128xi32>
    %eq3A = vector.broadcast %broadcast_in_dim3A : vector<1x32x128xi32> to vector<16x32x128xi32>
    %eq3A_15 = arith.cmpi eq, %eq3A, %iota3A : vector<16x32x128xi32>
    %convert_element_type3A = arith.extui %eq3A_15 : vector<16x32x128xi1> to vector<16x32x128xi32>
    %convert_element_type3A_16 = arith.sitofp %convert_element_type3A : vector<16x32x128xi32> to vector<16x32x128xf32>
    %reduce_sum3A = arith.constant dense<0.000000e+00> : vector<16xf32>
    %reduce_sum3A_17 = vector.multi_reduction <add>, %convert_element_type3A_16, %reduce_sum3A [1, 2] : vector<16x32x128xf32> to vector<16xf32>
    %max3A = arith.constant 1.000000e+00 : f32
    %max3A_18 = vector.broadcast %max3A : f32 to vector<16xf32>
    %max3A_19 = arith.maximumf %reduce_sum3A_17, %max3A_18 : vector<16xf32>
    %broadcast_in_dim3A_20 = vector.shape_cast %max3A_19 : vector<16xf32> to vector<16x1xf32>
    %broadcast_in_dim3A_21 = vector.shape_cast %reduce_sum3A_17 : vector<16xf32> to vector<16x1xf32>
    %gt3A = arith.constant 0.000000e+00 : f32
    %gt3A_22 = vector.broadcast %gt3A : f32 to vector<16x1xf32>
    %gt3A_23 = arith.cmpf ogt, %broadcast_in_dim3A_21, %gt3A_22 : vector<16x1xf32>
    %div3A = vector.broadcast %broadcast_in_dim3A_20 : vector<16x1xf32> to vector<16x8192xf32>
    %div3A_24 = arith.divf %reshape3A, %div3A : vector<16x8192xf32>
    %jit3A = arith.constant 0.000000e+00 : f32
    %broadcast_in_dim3A_25 = vector.shape_cast %gt3A_23 : vector<16x1xi1> to vector<16x1xi1>
    %broadcast_in_dim3A_26 = vector.broadcast %broadcast_in_dim3A_25 : vector<16x1xi1> to vector<16x8192xi1>
    %broadcast_in_dim3A_27 = vector.broadcast %jit3A : f32 to vector<16x8192xf32>
    %select_n3A = arith.select %broadcast_in_dim3A_26, %div3A_24, %broadcast_in_dim3A_27 : vector<16x8192xi1>, vector<16x8192xf32>
    %dot_general3A = arith.constant dense<0.000000e+00> : vector<16x16xf32>
    %dot_general3A_28 = tpu.matmul %select_n3A, %select_n3A, %dot_general3A {dimension_numbers = #tpu.dot_dimension_numbers<[1], [1], [0], [0], [0, 0, 1, 0], [], []>, transpose_lhs_hint = false} : vector<16x8192xf32>, vector<16x8192xf32>, vector<16x16xf32> -> vector<16x16xf32>
    %mul3A = arith.mulf %select_n3A, %select_n3A : vector<16x8192xf32>
    %reduce_sum3A_29 = arith.constant dense<0.000000e+00> : vector<16xf32>
    %reduce_sum3A_30 = vector.multi_reduction <add>, %mul3A, %reduce_sum3A_29 [1] : vector<16x8192xf32> to vector<16xf32>
    %broadcast_in_dim3A_31 = vector.shape_cast %reduce_sum3A_30 : vector<16xf32> to vector<16x1xf32>
    %broadcast_in_dim3A_32 = vector.shape_cast %reduce_sum3A_30 : vector<16xf32> to vector<1x16xf32>
    %add3A_33 = vector.broadcast %broadcast_in_dim3A_31 : vector<16x1xf32> to vector<16x16xf32>
    %add3A_34 = vector.broadcast %broadcast_in_dim3A_32 : vector<1x16xf32> to vector<16x16xf32>
    %add3A_35 = arith.addf %add3A_33, %add3A_34 : vector<16x16xf32>
    %mul3A_36 = arith.constant 2.000000e+00 : f32
    %mul3A_37 = vector.broadcast %mul3A_36 : f32 to vector<16x16xf32>
    %mul3A_38 = arith.mulf %mul3A_37, %dot_general3A_28 : vector<16x16xf32>
    %sub3A = arith.subf %add3A_35, %mul3A_38 : vector<16x16xf32>
    %max3A_39 = arith.constant 0.000000e+00 : f32
    %max3A_40 = vector.broadcast %max3A_39 : f32 to vector<16x16xf32>
    %max3A_41 = arith.maximumf %sub3A, %max3A_40 : vector<16x16xf32>
    %iota3A_42 = tpu.iota {dimensions = array<i32: 0>} : vector<16x16xi32>
    %iota3A_43 = tpu.iota {dimensions = array<i32: 1>} : vector<16x16xi32>
    %gt3A_44 = arith.cmpi sgt, %iota3A_43, %iota3A_42 : vector<16x16xi32>
    %jit3A_45 = arith.constant 1.000000e+00 : f32
    %broadcast_in_dim3A_46 = vector.broadcast %jit3A_45 : f32 to vector<16x16xf32>
    %select_n3A_47 = arith.select %gt3A_44, %max3A_41, %broadcast_in_dim3A_46 : vector<16x16xi1>, vector<16x16xf32>
    %sqrt3A = math.sqrt %select_n3A_47 : vector<16x16xf32>
    %jit3A_48 = arith.constant 0.000000e+00 : f32
    %broadcast_in_dim3A_49 = vector.broadcast %jit3A_48 : f32 to vector<16x16xf32>
    %select_n3A_50 = arith.select %gt3A_44, %sqrt3A, %broadcast_in_dim3A_49 : vector<16x16xi1>, vector<16x16xf32>
    %reduce_sum3A_51 = vector.shape_cast %select_n3A_50 : vector<16x16xf32> to vector<1x16x16xf32>
    %reduce_sum3A_52 = arith.constant dense<0.000000e+00> : vector<1xf32>
    %reduce_sum3A_53 = vector.multi_reduction <add>, %reduce_sum3A_51, %reduce_sum3A_52 [1, 2] : vector<1x16x16xf32> to vector<1xf32>
    %reduce_sum3A_54 = vector.shape_cast %reduce_sum3A_53 : vector<1xf32> to vector<1x1x1xf32>
    %reduce_sum3A_55 = vector.extract %reduce_sum3A_54[0, 0, 0] : f32 from vector<1x1x1xf32>
    %div3A_56 = arith.constant 1.200000e+02 : f32
    %div3A_57 = arith.divf %reduce_sum3A_55, %div3A_56 : f32
    %reshape3A_58 = vector.broadcast %div3A_57 : f32 to vector<1x1xf32>
    %swap3A = arith.constant 0 : index
    %swap3A_59 = arith.constant 0 : index
    %swap3A_60 = vector.load %arg2[%swap3A, %swap3A_59] : memref<1x1xf32, #tpu.memory_space<vmem>>, vector<1x1xf32>
    tpu.vector_store %arg2[%swap3A, %swap3A_59], %reshape3A_58 {strides = array<i32>} : memref<1x1xf32, #tpu.memory_space<vmem>>, vector<1x1xf32>,
    return
  }
}

</mosaic_0001>

<sc_bundles>
// kernel: kernel.4.cloned.1.call-start
scs
__scs_entry_jumppad:
0x0: {  	(pc) =	sbr.rel $0x88, $3  }
0x1: {  	(tag) =	ssettag $0x0;
	lr =	simm.s32 $0x1  }
0x2: {  	[smem:$0x3F9F] =	sst lr;
	_ =	strace $0xD0000000  }
0x3: {  	_ = 	snop  }
0x4: {  	_ = 	snop  }
0x5: {  	_ = 	snop  }
0x6: {  	_ = 	snop  }
0x7: {  	_ = 	snop  }
__scs_overlays_trampoline_lowered:
0x8: {  	[smem:$0x3FAE] =	sst s0  }
0x9: {  	[smem:$0x3FAF] =	sst s1  }
0xa: {  	[smem:$0x3FB0] =	sst s2  }
0xb: {  	[smem:$0x3FB1] =	sst s3  }
0xc: {  	[smem:$0x3FB2] =	sst s4  }
0xd: {  	[smem:$0x3FB3] =	sst s5  }
0xe: {  	[smem:$0x3FB4] =	sst s6  }
0xf: {  	[smem:$0x3FB5] =	sst s7  }
0x10: {  	[smem:$0x3FB6] =	sst s8  }
0x11: {  	[smem:$0x3FB7] =	sst s9;
	s0 =	simm.s32 @!p0 $0x0  }
0x12: {  	s1 =	sld [smem:$0x3F9D];
	s0 =	simm.s32 @p0 $0x1  }
0x13: {  	[smem:$0x3FB8] =	sst s0;
	s0 =	simm.s32 @!p1 $0x0  }
0x14: {  	s2 =	sld [smem:$0x3F9C];
	s0 =	simm.s32 @p1 $0x1  }
0x15: {  	[smem:$0x3FB9] =	sst s0;
	s0 =	simm.s32 @!p2 $0x0  }
0x16: {  	s3 =	sld [smem:$0x3FDB];
	s0 =	simm.s32 @p2 $0x1  }
0x17: {  	s4 =	simm.s32 $0x1BF5;
	[smem:$0x3FBB] =	sst s0  }
0x18: {  	s0 =	sld [smem:$0x3F9E];
	_ =	swait.ge [sflag:s4], $0x0  }
0x19: {  	s7 =	sld [smem:$0x3F9F]  }
0x1a: {  	s8 =	sadd.s32 $0xFFFFE003, lr  }
0x1b: {  	s9 =	sadd.s32 $0xFFFFFEF7, lr;
	s5 =	simm.s32 $0xFFFFFFFF;
	p2 =	slt.u32 s8, $0xFFFFF086  }
0x1c: {  	p1 =	slt.u32 s9, $0xF7A;
	s5 =	simm.s32 @!p2 $0x0  }
0x1d: {  	s5 =	simm.s32 @p1 $0x1;
	p0 =	seq.s32 s7, s2  }
0x1e: {  	s7 =	smul.u32 @!p0 $0xF7A, s2;
	p2 =	seq.s32 @!p0 s5, $0x0  }
0x1f: {  	s9 =	smul.u32 $0xF7A, s1;
	s8 =	simm.s32 @!p0 $0x1BF5;
	p2 =	por !p2, p0  }
0x20: {  	[sflag:s8] =	ssyncset.s32 @!p0 $0xFFFFF086;
	s6 =	sadd.s32 @!p0 s3, s7;
	s7 =	simm.s32 @!p0 $0x108  }
0x21: {  	s3 =	sadd.s32 s3, s9;
	s6 =	sadd.s32 @!p0 $0x88, s6;
	s7 =	simm.s32 @p2 $0x1082  }
0x22: {  	[simem:s7], [sflag:s8] =	dma.local @!p0 [hbm:s6], $0xF7A  }
0x23: {  	s9 =	sor.u32 $0xD0000000, s2;
	s6 =	simm.s32 $0x108;
	_ =	swait.ge @!p0 [sflag:s8], $0x0  }
0x24: {  	s3 =	sadd.s32 $0x88, s3;
	s6 =	simm.s32 @!p1 $0x1082;
	[sflag:s4] =	ssyncset.s32 $0xFFFFF086  }
0x25: {  	[simem:s6], [sflag:s4] =	dma.local [hbm:s3], $0xF7A  }
0x26: {  	[smem:$0x3F9F] =	sst s1;
	(tag) =	ssettag s2;
	_ =	strace s9  }
0x27: {  	s1 =	sld [smem:$0x3FAF]  }
0x28: {  	s2 =	sld [smem:$0x3FB0]  }
0x29: {  	s4 =	sld [smem:$0x3FB2]  }
0x2a: {  	p0 =	seq.s32 s5, $0x0;
	s5 =	sld [smem:$0x3FB3]  }
0x2b: {  	s6 =	sld [smem:$0x3FB4]  }
0x2c: {  	s7 =	sld [smem:$0x3FB5]  }
0x2d: {  	s3 =	simm.s32 $0x108;
	s8 =	sld [smem:$0x3FB6]  }
0x2e: {  	s3 =	simm.s32 @!p0 $0x1082;
	s9 =	sld [smem:$0x3FB7]  }
0x2f: {  	lr =	sadd.s32 s0, s3;
	s0 =	sld [smem:$0x3FAE]  }
0x30: {  	s3 =	sld [smem:$0x3FB1]  }
0x31: {  	[smem:$0x3FBA] =	sst s10  }
0x32: {  	s10 =	sld [smem:$0x3FB8];
	_ =	sdelay $0x3  }
0x33: {  	p0 =	seq.s32 s10, $0x1;
	s10 =	sld [smem:$0x3FBA];
	_ =	sdelay $0x3  }
0x34: {  	[smem:$0x3FBA] =	sst s10  }
0x35: {  	s10 =	sld [smem:$0x3FB9];
	_ =	sdelay $0x3  }
0x36: {  	p1 =	seq.s32 s10, $0x1;
	s10 =	sld [smem:$0x3FBA];
	_ =	sdelay $0x3  }
0x37: {  	[smem:$0x3FBA] =	sst s10  }
0x38: {  	s10 =	sld [smem:$0x3FBB]  }
0x39: {  	_ = 	snop;
	(pc) =	sbr.ind lr, $3  }
0x3a: {  	_ = 	snop  }
0x3b: {  	_ = 	snop  }
0x3c: {  	p2 =	seq.s32 s10, $0x1;
	s10 =	sld [smem:$0x3FBA]  }
0x3d: {  	_ =	shalt  }
0x3e: {  	_ =	shalt  }
0x3f: {  	_ =	shalt  }
0x40: {  	_ =	shalt  }
0x41: {  	_ =	shalt  }
0x42: {  	_ =	shalt  }
0x43: {  	_ =	shalt  }
0x44: {  	_ =	shalt  }
0x45: {  	_ =	shalt  }
0x46: {  	_ =	shalt  }
0x47: {  	_ =	shalt  }
0x48: {  	_ =	shalt  }
0x49: {  	_ =	shalt  }
0x4a: {  	_ =	shalt  }
0x4b: {  	_ =	shalt  }
0x4c: {  	_ =	shalt  }
0x4d: {  	_ =	shalt  }
0x4e: {  	_ =	shalt  }
0x4f: {  	_ =	shalt  }
0x50: {  	_ =	shalt  }
0x51: {  	_ =	shalt  }
0x52: {  	_ =	shalt  }
0x53: {  	_ =	shalt  }
0x54: {  	_ =	shalt  }
0x55: {  	_ =	shalt  }
0x56: {  	_ =	shalt  }
0x57: {  	_ =	shalt  }
0x58: {  	_ =	shalt  }
0x59: {  	_ =	shalt  }
0x5a: {  	_ =	shalt  }
0x5b: {  	_ =	shalt  }
0x5c: {  	_ =	shalt  }
0x5d: {  	_ =	shalt  }
0x5e: {  	_ =	shalt  }
0x5f: {  	_ =	shalt  }
0x60: {  	_ =	shalt  }
0x61: {  	_ =	shalt  }
0x62: {  	_ =	shalt  }
0x63: {  	_ =	shalt  }
0x64: {  	_ =	shalt  }
0x65: {  	_ =	shalt  }
0x66: {  	_ =	shalt  }
0x67: {  	_ =	shalt  }
0x68: {  	_ =	shalt  }
0x69: {  	_ =	shalt  }
0x6a: {  	_ =	shalt  }
0x6b: {  	_ =	shalt  }
0x6c: {  	_ =	shalt  }
0x6d: {  	_ =	shalt  }
0x6e: {  	_ =	shalt  }
0x6f: {  	_ =	shalt  }
0x70: {  	_ =	shalt  }
0x71: {  	_ =	shalt  }
0x72: {  	_ =	shalt  }
0x73: {  	_ =	shalt  }
0x74: {  	_ =	shalt  }
0x75: {  	_ =	shalt  }
0x76: {  	_ =	shalt  }
0x77: {  	_ =	shalt  }
0x78: {  	_ =	shalt  }
0x79: {  	_ =	shalt  }
0x7a: {  	_ =	shalt  }
0x7b: {  	_ =	shalt  }
0x7c: {  	_ =	shalt  }
0x7d: {  	_ =	shalt  }
0x7e: {  	_ =	shalt  }
0x7f: {  	_ =	shalt  }
0x80: {  	_ =	shalt  }
0x81: {  	_ =	shalt  }
0x82: {  	_ =	shalt  }
0x83: {  	_ =	shalt  }
0x84: {  	_ =	shalt  }
0x85: {  	_ =	shalt  }
0x86: {  	_ =	shalt  }
0x87: {  	_ =	shalt  }
.Lfunc_end0:
.L_simem_size_0:
called_computation_lowered:
.L_overlay_start_0:
0x88: {  	s2 =	sld [smem:$0x3FD9]  }
0x89: {  	s3 =	sld [smem:$0x3FFE];
	_ =	sdelay $0x1  }
0x8a: {  	s1 =	srdreg.scid  }
0x8b: {  	s0 =	sand.u32 $0x1, s1  }
0x8c: {  	s17 =	sshll.u32 s0, $0xA;
	s2 =	sadd.s32 s3, s2  }
0x8d: {  	s2 =	sadd.s32 s2, s17  }
0x8e: {  	[smem:$0x3FC6] =	sst s2  }
0x8f: {  	_ = 	snop  }
0x90: {  	s2 =	sld [smem:$0x3FC9]  }
0x91: {  	s18 =	sld [smem:$0x3FC8];
	(tm) =	ssettm $0x1  }
0x92: {  	s4 =	sld [smem:$0x3FFB];
	_ =	sdelay $0x3  }
0x93: {  	_ =	strace s4  }
0x94: {  	s4 =	sld [smem:$0x3FFC];
	_ =	sdelay $0x3  }
0x95: {  	_ =	strace s4  }
0x96: {  	s4 =	sld [smem:$0x3FFD];
	_ =	sdelay $0x3  }
0x97: {  	_ =	strace s4  }
0x98: {  	_ =	strace $0x8FFFFFFF  }
0x99: {  	s19 =	sld [smem:$0x3FDB];
	_ =	sdelay $0x1  }
0x9a: {  	s5 =	simm.s32 $_scs_section_size  }
0x9b: {  	s6 =	simm.s32 $_size__tile_overlayer_lowered;
	s7 =	simm.s32 $_tile_overlayer_lowered  }
0x9c: {  	s22 =	simm.s32 $0x1BFF;
	s21 =	sshll.u32 s7, $0x1;
	s4 =	sadd.s32 s5, s19  }
0x9d: {  	s8 =	simm.s32 $0x0;
	s20 =	sshll.u32 s6, $0x1;
	s6 =	sadd.s32 s21, s4  }
0x9e: {  	[timem:s8], [sflag:s22] =	dma.local [hbm:s6], s20  }
0x9f: {  	_ =	swait.ge [sflag:s22], s20  }
0xa0: {  	s5 =	ssub.s32 $0x0, s20;
	[sflag:s22] =	ssyncset.done $0x0  }
0xa1: {  	[sflag:s22] =	ssyncadd.s32 s5;
	_ =	sdelay $0x1  }
0xa2: {  	s23 =	simm.s32 $0x1B8B  }
0xa3: {  	_ =	swait.ge [sflag:s23], $0x1  }
0xa4: {  	[sflag:s23] =	ssyncset.done $0x0  }
0xa5: {  	s25 =	simm.s32 $0x1B8E;
	s24 =	sld [smem:$0x3FFE];
	[sflag:s23] =	ssyncadd.s32 $0xFFFFFFFF  }
0xa6: {  	s26 =	simm.s32 $execute0_lowered;
	[smem:$0x3FD2] =	sst s25  }
0xa7: {  	s6 =	sshll.u32 s26, $0x1;
	_ =	strace $0x80000046;
	[dreg:$0x1] =	wrdreg $0xFFFFFFFF  }
0xa8: {  	s28 =	simm.s32 $_size_execute0_lowered;
	s4 =	sadd.s32 s4, s6;
	[dreg:$0x0] =	wrdreg $0x0  }
0xa9: {  	s6 =	sshll.u32 s28, $0x1;
	[dreg:$0x2] =	wrdreg s4  }
0xaa: {  	[dreg:$0x3] =	wrdreg s6  }
0xab: {  	[dreg:$0x4] =	wrdreg $0xC0  }
0xac: {  	_ =	task [dreg:s8], $0x5FFFF  }
0xad: {  	[dreg:$0x1] =	wrdreg $0xFFFFFFFF  }
0xae: {  	[dreg:$0x0] =	wrdreg $0x60  }
0xaf: {  	[dreg:$0x2] =	wrdreg s2  }
0xb0: {  	[dreg:$0x3] =	wrdreg s18  }
0xb1: {  	[dreg:$0x4] =	wrdreg s24  }
0xb2: {  	[dreg:$0x5] =	wrdreg $0x9  }
0xb3: {  	_ =	task.clear_ibuf [dreg:s8], $0x6FFFF;
	_ =	strace $0x90000046  }
0xb4: {  	s29 =	simm.s32 $0x9;
	_ =	strace $0x80000048  }
0xb5: {  	_ =	swait.ge [sflag:s29], $0x1  }
0xb6: {  	[sflag:s29] =	ssyncadd.s32 $0xFFFFFFFF  }
0xb7: {  	_ =	strace $0x90000048  }
0xb8: {  	_ =	sfence  }
0xb9: {  	s30 =	sld [smem:$0x0];
	_ =	sdelay $0x2  }
0xba: {  	s31 =	sshll.u32 s1, $0xD;
	s1 =	sshrl.u32 s1, $0x2  }
0xbb: {  	s3 =	sand.u32 $0x4000, s31;
	s1 =	sadd.s32 s1, s30  }
0xbc: {  	s0 =	sor.u32 s3, s0;
	s1 =	sshll.u32 s1, $0x11  }
0xbd: {  	s0 =	sor.u32 s1, s0  }
0xbe: {  	s0 =	sadd.s32 $0x8F2B, s0  }
0xbf: {  	[sflag:s0] =	ssyncadd.remote.s32 $0x1  }
0xc0: {  	_ =	sfence.sel $0xFFFF  }
0xc1: {  	[dreg:$0x0] =	wrdreg $0xFFFFFFFF;
	(pc) =	sbr.abs _section_cstart, $3  }
0xc2: {  	[dreg:$0x1] =	wrdreg $0xFFFFFFFF  }
0xc3: {  	_ =	task.clear_ibuf [dreg:s8], $0x2FFFF;
	_ =	strace $0x9FFFFFFF  }
0xc4: {  	(tm) =	ssettm $0x7FFFFFFF  }
0xc5: {  	_ =	shalt  }
tec
execute0_lowered:
.L_overlay_start_1:
0x0: {  	(tag) =	ssettag $0x1  }
0x1: {  	s0 =	srdreg.scid  }
0x2: {  	s7 =	rddreg [dreg:$0x0];
	s0 =	sand.u32 $0x1, s0  }
0x3: {  	s2 =	stileid.u32;
	s3 =	rddreg [dreg:$0x1];
	s1 =	sshll.u32 s0, $0x4  }
0x4: {  	s4 =	simm.s32 $0x1;
	s1 =	sor.u32 s2, s1;
	s2 =	sand.u32 $0x7, s2  }
0x5: {  	s5 =	rddreg [dreg:$0x2];
	p0 =	sne.s32 s2, $0x0;
	p1 =	seq.s32 s1, $0x0  }
0x6: {  	s6 =	simm.s32 $0x0;
	s0 =	ssub.s32 $0x2, s0;
	p0 =	por !p0, !p1  }
0x7: {  	[smem:$0x7FF] =	sst s6;
	s25 =	sshrl.u32 s0, $0x1;
	p0 =	por !p0, !p0  }
0x8: {  	s1 =	sshrl.u32 s1, $0x3;
	s0 =	ssub.s32 s0, s25;
	s4 =	simm.s32 @!p0 $0x0  }
0x9: {  	_ =	strace $0x80000047;
	s0 =	smax.u32 s0, $0x1;
	s1 =	ssub.s32 s1, s4  }
0xa: {  	s4 =	sshll.u32 s1, $0x11;
	s24 =	sshll.u32 s1, $0x17;
	s1 =	sshll.u32 s1, $0x7  }
0xb: {  	s2 =	sshll.u32 s2, $0xA;
	[smem:$0x7FD] =	sst s0;
	s1 =	sand.u32 $0x1FFFFF80, s1  }
0xc: {  	s4 =	sor.u32 s2, s4;
	s2 =	sor.u32 s2, s24;
	s1 =	sadd.s32 s3, s1  }
0xd: {  	v0 =	vimm.f32 $0.0e+00;
	s26 =	sshrl.u32 s2, $0x3;
	s29 =	sor.u32 $0x80000, s2;
	[smem:$0x7F7] =	sst s1  }
.Ltmp0:
0xe: {  	v3 =	vimm.s32 $0x2;
	v4 =	vimm.s32 $0x3;
	v5 =	vimm.s32 $0x4;
	s30 =	sor.u32 $0xC0000, s2;
	[smem:$0x7FA] =	sst s29;
	(pc) =	sbr.rel .LBB2_1-.Ltmp0, $4  }
0xf: {  	v6 =	vimm.s32 $0x5;
	v7 =	vimm.s32 $0x6;
	v8 =	vimm.s32 $0x7;
	s4 =	sshrl.u32 s4, $0x3;
	s28 =	sadd.s32 s7, s26;
	[smem:$0x7FB] =	sst s30  }
0x10: {  	v9 =	vimm.s32 $0x8;
	v10 =	vimm.s32 $0x9;
	v11 =	vimm.s32 $0xA;
	s4 =	sadd.s32 s4, s5;
	[smem:$0x7F8] =	sst s28;
	s1 =	sadd.s32 $0x8000, s28  }
0x11: {  	v12 =	vimm.s32 $0xB;
	v13 =	vimm.s32 $0xC;
	v14 =	vimm.s32 $0xD;
	s16 =	simm.s32 $0x10400;
	s31 =	sadd.s32 $0x800, s4;
	[smem:$0x7F9] =	sst s1  }
0x12: {  	v15 =	vimm.s32 $0xE;
	v16 =	vimm.s32 $0xF;
	v17 =	vlaneseq.u32;
	s3 =	simm.s32 $0x3;
	[smem:$0x7FC] =	sst s31;
	s1 =	simm.s32 $0x0  }
.LBB2_14:
0x13: {  	s0 =	sld [smem:$0x7FC];
	_ =	sdelay $0x1  }
0x14: {  	s1 =	simm.s32 $0x2000;
	s2 =	simm.s32 $0x400;
	s3 =	simm.s32 $0x3  }
0x15: {  	[hbm4b:s0+s2] =	stream.strided.scatter [tilespmem:s16], [sflag:$0x3], $0x4000, s1, s2, $0x38;
	[tilespmem:$0x14400] =	vst v63  }
0x16: {  	_ =	swait.ge [sflag:s3], $0x4000  }
0x17: {  	s30 =	sld [smem:$0x7F6]  }
0x18: {  	s31 =	sld [smem:$0x7FD];
	_ =	sdelay $0x1  }
0x19: {  	s1 =	sadd.s32 $0x1, s30  }
0x1a: {  	p0 =	sne.s32 s1, s31  }
.Ltmp1:
0x1b: {  	_ = 	snop;
	(pc) =	sbr.rel @!p0 .LBB2_15-.Ltmp1, $3  }
0x1c: {  	_ =	sdelay $0x1  }
0x1d: {  	[sflag:s3] =	ssyncset.done $0x0  }
0x1e: {  	v0 =	vimm.f32 $0.0e+00;
	[sflag:s3] =	ssyncadd.s32 $0xFFFFC000  }
.LBB2_1:
0x1f: {  	s0 =	sld [smem:$0x7F7]  }
0x20: {  	s2 =	simm.s32 $0x0  }
0x21: {  	[smem:$0x7F6] =	sst s1;
	s30 =	sand.u32 $0xF000, s2;
	s31 =	sand.u32 $0x380, s2  }
0x22: {  	[tilespmem:s2], [sflag:$0x3] =	stream.linear.gather [hbm4b:s0+s2], $0x400, $0x38;
	[tilespmem:$0x14400] =	vst v63  }
0x23: {  	s0 =	sshrl.u32 s30, $0x2;
	s2 =	sand.u32 $0x70, s2;
	_ =	swait.ge [sflag:s3], $0x400  }
0x24: {  	s1 =	sor.u32 s31, s0;
	s0 =	simm.s32 $0x40;
	[sflag:s3] =	ssyncset.done $0x0  }
0x25: {  	s2 =	sor.u32 s2, s1;
	s1 =	simm.s32 $0x0;
	[sflag:s3] =	ssyncadd.s32 $0xFFFFFC00  }
.LBB2_2:
0x26: {  	p0 =	sne.s32 s0, $0xFFC0  }
0x27: {  	[tilespmem:s2+$0x10400] =	vst v0;
	s1 =	sadd.s32 $0x10, s1;
	s2 =	smov.u32 s0;
	s0 =	sadd.s32 $0x40, s0  }
.Ltmp2:
0x28: {  	(pc) =	sbr.rel @p0 .LBB2_2-.Ltmp2, $4  }
0x29: {  	s2 =	sand.u32 $0xF000, s2  }
0x2a: {  	s3 =	sand.u32 $0x380, s1;
	s2 =	sshrl.u32 s2, $0x2  }
0x2b: {  	s4 =	sand.u32 $0x70, s1;
	s2 =	sor.u32 s3, s2  }
0x2c: {  	s2 =	sor.u32 s4, s2  }
0x2d: {  	s0 =	sld [smem:$0x7F8];
	_ =	sdelay $0x1  }
0x2e: {  	[tilespmem:s2+$0x10400] =	vst v0;
	s1 =	simm.s32 $0x2000;
	s30 =	simm.s32 $0x400;
	s31 =	sld [smem:$0x7F9]  }
0x2f: {  	[tilespmem:s30], [sflag:$0x1] =	stream.strided.gather [hbm4b:s0+s30], $0x8000, s1, s30, $0x38;
	[tilespmem:$0x14400] =	vst v63  }
0x30: {  	s3 =	simm.s32 $0x8400;
	s19 =	simm.s32 $0x0  }
0x31: {  	[tilespmem:s3], [sflag:$0x2] =	stream.strided.gather [hbm4b:s31+s30], $0x8000, s1, s30, $0x38;
	[tilespmem:$0x14400] =	vst v63  }
.LBB2_4:
0x32: {  	s1 =	simm.s32 $0x1  }
0x33: {  	s0 =	sshll.u32 s19, $0x6;
	_ =	swait.ge [sflag:s1], $0x8000  }
0x34: {  	s21 =	sand.u32 $0x3FFFFFC0, s0;
	[sflag:s1] =	ssyncset.done $0x0  }
0x35: {  	p0 =	por $0x1, $0x1;
	s0 =	simm.s32 $0x0;
	v18 =	vmov s21;
	[sflag:s1] =	ssyncadd.s32 $0xFFFF8000  }
.LBB2_5:
0x36: {  	s1 =	sshll.u32 s0, $0xE  }
0x37: {  	s1 =	sand.u32 $0x3FFFC000, s1  }
0x38: {  	s2 =	sor.u32 $0x400, s1  }
0x39: {  	s18 =	sor.u32 $0x800, s1;
	[dreg:$0x4] =	wrdreg s2  }
0x3a: {  	s20 =	sor.u32 $0xC00, s1;
	[dreg:$0x5] =	wrdreg s18  }
0x3b: {  	s22 =	sor.u32 $0x1000, s1;
	[dreg:$0x6] =	wrdreg s20  }
0x3c: {  	s23 =	sor.u32 $0x1400, s1;
	[dreg:$0x7] =	wrdreg s22  }
0x3d: {  	s24 =	sor.u32 $0x1800, s1;
	[dreg:$0x8] =	wrdreg s23  }
0x3e: {  	s25 =	sor.u32 $0x1C00, s1;
	[dreg:$0x9] =	wrdreg s24  }
0x3f: {  	s29 =	sshll.u32 s0, $0x4;
	s26 =	sor.u32 $0x2000, s1;
	[dreg:$0xa] =	wrdreg s25  }
0x40: {  	s0 =	sand.u32 $0x3FFFFFF0, s29;
	s28 =	sor.u32 $0x2400, s1;
	[dreg:$0xb] =	wrdreg s26  }
0x41: {  	s30 =	sor.u32 $0x2800, s1;
	v34 =	vld.idx.msk [tilespmem:v18+s0+$0x0 ss:$0x1], $0xffff;
	[dreg:$0xc] =	wrdreg s28  }
0x42: {  	s31 =	sor.u32 $0x2C00, s1;
	[dreg:$0xd] =	wrdreg s30  }
0x43: {  	s3 =	sor.u32 $0x3000, s1;
	[dreg:$0xe] =	wrdreg s31  }
0x44: {  	s4 =	sor.u32 $0x3400, s1;
	s5 =	sor.u32 $0x3800, s1;
	[dreg:$0xf] =	wrdreg s3  }
0x45: {  	v0 =	vimm.s32 $0x0;
	s7 =	sor.u32 $0x3C00, s1;
	s1 =	sadd.s32 $0x4000, s1;
	[dreg:$0x10] =	wrdreg s4  }
0x46: {  	[dreg:$0x11] =	wrdreg s5;
	s3 =	simm.s32 $0x0;
	s4 =	simm.s32 $0x0;
	v19 =	vperm.xlane v34, v0  }
0x47: {  	s6 =	rddreg [dreg:$0x4];
	s25 =	sand.u32 $0x40, s3;
	s23 =	sand.u32 $0xFFFFFF80, s4  }
0x48: {  	[dreg:$0x12] =	wrdreg s7;
	s8 =	sadd.s32 s23, s6;
	s0 =	sor.u32 $0x30, s25;
	v19 =	vshll.u32 v19, $0xA  }
0x49: {  	[dreg:$0x13] =	wrdreg s1;
	v38 =	vor.u32 s0, v17;
	s9 =	sadd.s32 s0, s8;
	v21 =	vadd.s32 s23, v19  }
0x4a: {  	v22 =	vld [tilespmem:s9+$0x0];
	v23 =	vor.u32 v21, v38  }
0x4b: {  	v36 =	vor.u32 s25, v17;
	s24 =	sor.u32 $0x10, s25;
	s10 =	sadd.s32 s25, s8;
	v0 =	vimm.s32 $0x1  }
0x4c: {  	s22 =	sor.u32 $0x20, s25;
	s12 =	sadd.s32 s24, s8;
	v37 =	vor.u32 s24, v17;
	v25 =	vld [tilespmem:s10+$0x0];
	v20 =	vperm.xlane v34, v0;
	v24 =	vor.u32 v36, v21  }
0x4d: {  	s11 =	rddreg [dreg:$0x5];
	s13 =	sadd.s32 s22, s8;
	v35 =	vor.u32 s22, v17;
	v26 =	vld [tilespmem:s12+$0x0];
	v27 =	vor.u32 v21, v37  }
0x4e: {  	s14 =	sadd.s32 s23, s11;
	v28 =	vld [tilespmem:s13+$0x0];
	v20 =	vshll.u32 v20, $0xA;
	v21 =	vor.u32 v21, v35  }
0x4f: {  	s15 =	sadd.s32 s0, s14;
	[tilespmem:v23+s16+$0x0] =	vst.idx.add.f32.msk $0xffff, v22;
	v22 =	vadd.s32 s23, v20  }
0x50: {  	v23 =	vld [tilespmem:s15+$0x0];
	v29 =	vor.u32 v22, v38  }
0x51: {  	[tilespmem:v24+s16+$0x0] =	vst.idx.add.f32.msk $0xffff, v25  }
0x52: {  	v24 =	vperm.xlane v34, v3;
	s17 =	rddreg [dreg:$0x6];
	[tilespmem:v27+s16+$0x0] =	vst.idx.add.f32.msk $0xffff, v26  }
0x53: {  	s3 =	sadd.s32 s25, s14;
	[tilespmem:v21+s16+$0x0] =	vst.idx.add.f32.msk $0xffff, v28  }
0x54: {  	v25 =	vld [tilespmem:s3+$0x0];
	v21 =	vshll.u32 v24, $0xA;
	v24 =	vor.u32 v36, v22;
	s2 =	sadd.s32 s23, s17  }
0x55: {  	v26 =	vadd.s32 s23, v21;
	s18 =	sadd.s32 s0, s2;
	[tilespmem:v29+s16+$0x0] =	vst.idx.add.f32.msk $0xffff, v23  }
0x56: {  	s20 =	sadd.s32 s24, s14;
	v27 =	vor.u32 v26, v38;
	v23 =	vld [tilespmem:s18+$0x0]  }
0x57: {  	s1 =	sadd.s32 s22, s14;
	v28 =	vld [tilespmem:s20+$0x0]  }
0x58: {  	v30 =	vor.u32 v22, v37;
	v31 =	vld [tilespmem:s1+$0x0];
	v29 =	vperm.xlane v34, v4  }
0x59: {  	v32 =	vor.u32 v22, v35;
	s28 =	sadd.s32 s25, s2;
	s26 =	rddreg [dreg:$0x7];
	[tilespmem:v24+s16+$0x0] =	vst.idx.add.f32.msk $0xffff, v25  }
0x5a: {  	v22 =	vshll.u32 v29, $0xA;
	v24 =	vld [tilespmem:s28+$0x0];
	s29 =	sadd.s32 s23, s26  }
0x5b: {  	v25 =	vadd.s32 s23, v22;
	s3 =	sadd.s32 s0, s29;
	[tilespmem:v27+s16+$0x0] =	vst.idx.add.f32.msk $0xffff, v23  }
0x5c: {  	v29 =	vor.u32 v25, v38;
	v27 =	vld [tilespmem:s3+$0x0]  }
0x5d: {  	s30 =	rddreg [dreg:$0x8];
	[tilespmem:v30+s16+$0x0] =	vst.idx.add.f32.msk $0xffff, v28  }
0x5e: {  	s31 =	sadd.s32 s24, s2;
	v23 =	vperm.xlane v34, v5;
	v28 =	vor.u32 v36, v26;
	[tilespmem:v32+s16+$0x0] =	vst.idx.add.f32.msk $0xffff, v31  }
0x5f: {  	s2 =	sadd.s32 s22, s2;
	v31 =	vor.u32 v26, v37;
	v30 =	vld [tilespmem:s31+$0x0]  }
0x60: {  	v26 =	vor.u32 v26, v35;
	s3 =	sadd.s32 s23, s30;
	v32 =	vld [tilespmem:s2+$0x0];
	v23 =	vshll.u32 v23, $0xA  }
0x61: {  	s5 =	sadd.s32 s0, s3;
	[tilespmem:v29+s16+$0x0] =	vst.idx.add.f32.msk $0xffff, v27;
	v27 =	vadd.s32 s23, v23  }
0x62: {  	v29 =	vld [tilespmem:s5+$0x0];
	v33 =	vor.u32 v27, v38  }
0x63: {  	[tilespmem:v28+s16+$0x0] =	vst.idx.add.f32.msk $0xffff, v24  }
0x64: {  	v24 =	vperm.xlane v34, v6;
	s6 =	rddreg [dreg:$0x9];
	[tilespmem:v31+s16+$0x0] =	vst.idx.add.f32.msk $0xffff, v30  }
0x65: {  	s7 =	sadd.s32 s25, s29;
	[tilespmem:v26+s16+$0x0] =	vst.idx.add.f32.msk $0xffff, v32  }
0x66: {  	v26 =	vor.u32 v36, v25;
	v28 =	vld [tilespmem:s7+$0x0];
	v24 =	vshll.u32 v24, $0xA;
	s2 =	sadd.s32 s23, s6  }
0x67: {  	v30 =	vadd.s32 s23, v24;
	s8 =	sadd.s32 s0, s2;
	[tilespmem:v33+s16+$0x0] =	vst.idx.add.f32.msk $0xffff, v29  }
0x68: {  	s5 =	sadd.s32 s24, s29;
	v31 =	vor.u32 v30, v38;
	v29 =	vld [tilespmem:s8+$0x0]  }
0x69: {  	s1 =	sadd.s32 s22, s29;
	v46 =	vld [tilespmem:s5+$0x0]  }
0x6a: {  	v47 =	vperm.xlane v34, v7;
	v39 =	vor.u32 v25, v37;
	v40 =	vld [tilespmem:s1+$0x0]  }
0x6b: {  	v41 =	vor.u32 v25, v35;
	s10 =	sadd.s32 s25, s3;
	s9 =	rddreg [dreg:$0xa];
	[tilespmem:v26+s16+$0x0] =	vst.idx.add.f32.msk $0xffff, v28  }
0x6c: {  	v25 =	vshll.u32 v47, $0xA;
	v28 =	vld [tilespmem:s10+$0x0];
	s11 =	sadd.s32 s23, s9  }
0x6d: {  	v33 =	vadd.s32 s23, v25;
	s4 =	sadd.s32 s0, s11;
	[tilespmem:v31+s16+$0x0] =	vst.idx.add.f32.msk $0xffff, v29  }
0x6e: {  	v31 =	vor.u32 v33, v38;
	v29 =	vld [tilespmem:s4+$0x0]  }
0x6f: {  	s12 =	rddreg [dreg:$0xb];
	[tilespmem:v39+s16+$0x0] =	vst.idx.add.f32.msk $0xffff, v46  }
0x70: {  	s13 =	sadd.s32 s24, s3;
	v48 =	vor.u32 v36, v27;
	v26 =	vperm.xlane v34, v8;
	[tilespmem:v41+s16+$0x0] =	vst.idx.add.f32.msk $0xffff, v40  }
0x71: {  	s3 =	sadd.s32 s22, s3;
	v39 =	vld [tilespmem:s13+$0x0]  }
0x72: {  	v49 =	vor.u32 v27, v37;
	v26 =	vshll.u32 v26, $0xA;
	s4 =	sadd.s32 s23, s12;
	v41 =	vld [tilespmem:s3+$0x0]  }
0x73: {  	v27 =	vor.u32 v27, v35;
	s14 =	sadd.s32 s0, s4;
	[tilespmem:v31+s16+$0x0] =	vst.idx.add.f32.msk $0xffff, v29;
	v31 =	vadd.s32 s23, v26  }
0x74: {  	v29 =	vld [tilespmem:s14+$0x0];
	v42 =	vor.u32 v31, v38  }
0x75: {  	s17 =	sadd.s32 s25, s2;
	[tilespmem:v48+s16+$0x0] =	vst.idx.add.f32.msk $0xffff, v28  }
0x76: {  	v28 =	vperm.xlane v34, v9;
	v32 =	vld [tilespmem:s17+$0x0]  }
0x77: {  	s15 =	rddreg [dreg:$0xc];
	[tilespmem:v49+s16+$0x0] =	vst.idx.add.f32.msk $0xffff, v39  }
0x78: {  	[tilespmem:v27+s16+$0x0] =	vst.idx.add.f32.msk $0xffff, v41;
	v27 =	vshll.u32 v28, $0xA;
	v28 =	vor.u32 v36, v30;
	s18 =	sadd.s32 s23, s15  }
0x79: {  	v39 =	vadd.s32 s23, v27;
	s3 =	sadd.s32 s0, s18;
	[tilespmem:v42+s16+$0x0] =	vst.idx.add.f32.msk $0xffff, v29  }
0x7a: {  	s6 =	sadd.s32 s24, s2;
	v50 =	vor.u32 v39, v38;
	v29 =	vld [tilespmem:s3+$0x0]  }
0x7b: {  	s2 =	sadd.s32 s22, s2;
	v51 =	vld [tilespmem:s6+$0x0]  }
0x7c: {  	v52 =	vperm.xlane v34, v10;
	v43 =	vor.u32 v30, v37;
	v44 =	vld [tilespmem:s2+$0x0]  }
0x7d: {  	s26 =	sadd.s32 s25, s11;
	v30 =	vor.u32 v30, v35;
	s20 =	rddreg [dreg:$0xd];
	[tilespmem:v28+s16+$0x0] =	vst.idx.add.f32.msk $0xffff, v32  }
0x7e: {  	v28 =	vshll.u32 v52, $0xA;
	v32 =	vld [tilespmem:s26+$0x0];
	s28 =	sadd.s32 s23, s20  }
0x7f: {  	v42 =	vadd.s32 s23, v28;
	s3 =	sadd.s32 s0, s28;
	[tilespmem:v50+s16+$0x0] =	vst.idx.add.f32.msk $0xffff, v29  }
0x80: {  	v45 =	vor.u32 v42, v38;
	v40 =	vld [tilespmem:s3+$0x0]  }
0x81: {  	s29 =	rddreg [dreg:$0xe];
	[tilespmem:v43+s16+$0x0] =	vst.idx.add.f32.msk $0xffff, v51  }
0x82: {  	v53 =	vor.u32 v36, v33;
	s30 =	sadd.s32 s24, s11;
	v29 =	vperm.xlane v34, v11;
	[tilespmem:v30+s16+$0x0] =	vst.idx.add.f32.msk $0xffff, v44  }
0x83: {  	s7 =	sadd.s32 s22, s11;
	v30 =	vld [tilespmem:s30+$0x0]  }
0x84: {  	v54 =	vor.u32 v33, v37;
	s31 =	sadd.s32 s23, s29;
	v44 =	vld [tilespmem:s7+$0x0];
	v29 =	vshll.u32 v29, $0xA  }
0x85: {  	v33 =	vor.u32 v33, v35;
	s3 =	sadd.s32 s0, s31;
	[tilespmem:v45+s16+$0x0] =	vst.idx.add.f32.msk $0xffff, v40;
	v45 =	vadd.s32 s23, v29  }
0x86: {  	v40 =	vld [tilespmem:s3+$0x0];
	v46 =	vor.u32 v45, v38  }
0x87: {  	s8 =	sadd.s32 s25, s4;
	[tilespmem:v53+s16+$0x0] =	vst.idx.add.f32.msk $0xffff, v32  }
0x88: {  	v55 =	vperm.xlane v34, v12;
	v57 =	vld [tilespmem:s8+$0x0]  }
0x89: {  	s7 =	rddreg [dreg:$0xf];
	[tilespmem:v54+s16+$0x0] =	vst.idx.add.f32.msk $0xffff, v30  }
0x8a: {  	v56 =	vor.u32 v36, v31;
	[tilespmem:v33+s16+$0x0] =	vst.idx.add.f32.msk $0xffff, v44;
	v30 =	vshll.u32 v55, $0xA;
	s3 =	sadd.s32 s23, s7  }
0x8b: {  	v41 =	vadd.s32 s23, v30;
	s9 =	sadd.s32 s0, s3;
	[tilespmem:v46+s16+$0x0] =	vst.idx.add.f32.msk $0xffff, v40  }
0x8c: {  	s10 =	sadd.s32 s24, s4;
	v58 =	vor.u32 v41, v38;
	v40 =	vld [tilespmem:s9+$0x0]  }
0x8d: {  	s4 =	sadd.s32 s22, s4;
	v59 =	vld [tilespmem:s10+$0x0]  }
0x8e: {  	v47 =	vor.u32 v31, v37;
	v48 =	vld [tilespmem:s4+$0x0]  }
0x8f: {  	v49 =	vor.u32 v31, v35;
	s12 =	sadd.s32 s25, s18;
	s11 =	rddreg [dreg:$0x10];
	[tilespmem:v56+s16+$0x0] =	vst.idx.add.f32.msk $0xffff, v57  }
0x90: {  	v60 =	vperm.xlane v34, v13;
	v62 =	vor.u32 v36, v39;
	v33 =	vld [tilespmem:s12+$0x0];
	s13 =	sadd.s32 s23, s11  }
0x91: {  	s6 =	sadd.s32 s0, s13;
	[tilespmem:v58+s16+$0x0] =	vst.idx.add.f32.msk $0xffff, v40  }
0x92: {  	v31 =	vshll.u32 v60, $0xA;
	v40 =	vld [tilespmem:s6+$0x0]  }
0x93: {  	v46 =	vadd.s32 s23, v31;
	s14 =	rddreg [dreg:$0x11];
	[tilespmem:v47+s16+$0x0] =	vst.idx.add.f32.msk $0xffff, v59  }
0x94: {  	v61 =	vor.u32 v46, v38;
	[tilespmem:v49+s16+$0x0] =	vst.idx.add.f32.msk $0xffff, v48  }
0x95: {  	s15 =	sadd.s32 s24, s18;
	[tilespmem:v62+s16+$0x0] =	vst.idx.add.f32.msk $0xffff, v33  }
0x96: {  	s5 =	sadd.s32 s22, s18;
	v52 =	vor.u32 v39, v37;
	v47 =	vld [tilespmem:s15+$0x0]  }
0x97: {  	v63 =	vperm.xlane v34, v14;
	v39 =	vor.u32 v39, v35;
	s20 =	sadd.s32 s25, s28;
	v49 =	vld [tilespmem:s5+$0x0]  }
0x98: {  	s6 =	sadd.s32 s23, s14;
	v55 =	vld [tilespmem:s20+$0x0]  }
0x99: {  	v32 =	vshll.u32 v63, $0xA;
	s17 =	sadd.s32 s0, s6;
	[tilespmem:v61+s16+$0x0] =	vst.idx.add.f32.msk $0xffff, v40  }
0x9a: {  	v43 =	vadd.s32 s23, v32;
	v40 =	vld [tilespmem:s17+$0x0]  }
0x9b: {  	v50 =	vor.u32 v43, v38;
	s18 =	rddreg [dreg:$0x12];
	[tilespmem:v52+s16+$0x0] =	vst.idx.add.f32.msk $0xffff, v47  }
0x9c: {  	s8 =	sadd.s32 s24, s28;
	v54 =	vor.u32 v36, v42;
	[tilespmem:v39+s16+$0x0] =	vst.idx.add.f32.msk $0xffff, v49  }
0x9d: {  	s2 =	sadd.s32 s22, s28;
	v58 =	vor.u32 v42, v37;
	v57 =	vld [tilespmem:s8+$0x0]  }
0x9e: {  	v42 =	vor.u32 v42, v35;
	v51 =	vld [tilespmem:s2+$0x0];
	_ =	sdelay $0x1  }
0x9f: {  	[tilespmem:v50+s16+$0x0] =	vst.idx.add.f32.msk $0xffff, v40  }
0xa0: {  	s28 =	rddreg [dreg:$0x13];
	[tilespmem:v54+s16+$0x0] =	vst.idx.add.f32.msk $0xffff, v55  }
0xa1: {  	[tilespmem:v58+s16+$0x0] =	vst.idx.add.f32.msk $0xffff, v57  }
0xa2: {  	s29 =	sadd.s32 s25, s31;
	[tilespmem:v42+s16+$0x0] =	vst.idx.add.f32.msk $0xffff, v51  }
0xa3: {  	s30 =	sadd.s32 s24, s31;
	v59 =	vor.u32 v36, v45;
	v44 =	vld [tilespmem:s29+$0x0]  }
0xa4: {  	s31 =	sadd.s32 s22, s31;
	v60 =	vor.u32 v45, v37;
	v49 =	vld [tilespmem:s30+$0x0]  }
0xa5: {  	v53 =	vperm.xlane v34, v15;
	v61 =	vor.u32 v45, v35;
	s5 =	sadd.s32 s23, s18;
	v62 =	vld [tilespmem:s31+$0x0]  }
0xa6: {  	s26 =	sadd.s32 s0, s5  }
0xa7: {  	v33 =	vshll.u32 v53, $0xA;
	v40 =	vld [tilespmem:s26+$0x0]  }
0xa8: {  	v39 =	vadd.s32 s23, v33;
	[tilespmem:v59+s16+$0x0] =	vst.idx.add.f32.msk $0xffff, v44  }
0xa9: {  	v56 =	vor.u32 v39, v38;
	[tilespmem:v60+s16+$0x0] =	vst.idx.add.f32.msk $0xffff, v49  }
0xaa: {  	s1 =	sadd.s32 s25, s3;
	[tilespmem:v61+s16+$0x0] =	vst.idx.add.f32.msk $0xffff, v62  }
0xab: {  	v63 =	vor.u32 v36, v41;
	s2 =	sadd.s32 s24, s3;
	v47 =	vld [tilespmem:s1+$0x0]  }
0xac: {  	v52 =	vor.u32 v41, v37;
	s3 =	sadd.s32 s22, s3;
	v49 =	vld [tilespmem:s2+$0x0]  }
0xad: {  	v41 =	vor.u32 v41, v35;
	s26 =	sadd.s32 s23, s28;
	v42 =	vld [tilespmem:s3+$0x0]  }
0xae: {  	s0 =	sadd.s32 s0, s26;
	[tilespmem:v56+s16+$0x0] =	vst.idx.add.f32.msk $0xffff, v40  }
0xaf: {  	v40 =	vld [tilespmem:s0+$0x0]  }
0xb0: {  	[tilespmem:v63+s16+$0x0] =	vst.idx.add.f32.msk $0xffff, v47  }
0xb1: {  	[tilespmem:v52+s16+$0x0] =	vst.idx.add.f32.msk $0xffff, v49  }
0xb2: {  	s7 =	sadd.s32 s25, s13;
	s9 =	sadd.s32 s22, s13;
	[tilespmem:v41+s16+$0x0] =	vst.idx.add.f32.msk $0xffff, v42  }
0xb3: {  	v53 =	vor.u32 v36, v46;
	s14 =	simm.s32 $0x40;
	s20 =	simm.s32 $0x40;
	s8 =	sadd.s32 s24, s13;
	v54 =	vld [tilespmem:s7+$0x0]  }
0xb4: {  	s13 =	rddreg [dreg:$0x4];
	v55 =	vor.u32 v46, v37;
	s28 =	sand.u32 $0x40, s20;
	s31 =	sand.u32 $0xFFFFFF80, s14;
	v48 =	vld [tilespmem:s8+$0x0]  }
0xb5: {  	v56 =	vor.u32 v46, v35;
	s0 =	sadd.s32 s31, s13;
	s2 =	sor.u32 $0x30, s28;
	v42 =	vld [tilespmem:s9+$0x0]  }
0xb6: {  	s1 =	sadd.s32 s2, s0  }
0xb7: {  	v61 =	vld [tilespmem:s1+$0x0]  }
0xb8: {  	v60 =	vadd.s32 s31, v19;
	v44 =	vor.u32 s2, v17;
	[tilespmem:v53+s16+$0x0] =	vst.idx.add.f32.msk $0xffff, v54  }
0xb9: {  	v62 =	vor.u32 v60, v44;
	[tilespmem:v55+s16+$0x0] =	vst.idx.add.f32.msk $0xffff, v48  }
0xba: {  	s10 =	sadd.s32 s25, s6;
	[tilespmem:v56+s16+$0x0] =	vst.idx.add.f32.msk $0xffff, v42  }
0xbb: {  	s11 =	sadd.s32 s24, s6;
	v57 =	vor.u32 v36, v43;
	v45 =	vld [tilespmem:s10+$0x0]  }
0xbc: {  	s12 =	sadd.s32 s22, s6;
	v58 =	vor.u32 v43, v37;
	v47 =	vld [tilespmem:s11+$0x0]  }
0xbd: {  	s18 =	rddreg [dreg:$0x5];
	s29 =	sor.u32 $0x10, s28;
	s30 =	sor.u32 $0x20, s28;
	v59 =	vor.u32 v43, v35;
	v42 =	vld [tilespmem:s12+$0x0]  }
0xbe: {  	s17 =	sadd.s32 s28, s0;
	s6 =	sadd.s32 s29, s0;
	s0 =	sadd.s32 s30, s0;
	[tilespmem:v62+s16+$0x0] =	vst.idx.add.f32.msk $0xffff, v61  }
0xbf: {  	v53 =	vld [tilespmem:s0+$0x0]  }
0xc0: {  	[tilespmem:v57+s16+$0x0] =	vst.idx.add.f32.msk $0xffff, v45  }
0xc1: {  	[tilespmem:v58+s16+$0x0] =	vst.idx.add.f32.msk $0xffff, v47  }
0xc2: {  	v41 =	vor.u32 s28, v17;
	[tilespmem:v59+s16+$0x0] =	vst.idx.add.f32.msk $0xffff, v42  }
0xc3: {  	v63 =	vor.u32 v41, v60;
	s7 =	sadd.s32 s31, s18;
	v57 =	vld [tilespmem:s17+$0x0];
	v42 =	vor.u32 s29, v17  }
0xc4: {  	v43 =	vor.u32 s30, v17;
	s8 =	sadd.s32 s2, s7;
	v58 =	vld [tilespmem:s6+$0x0];
	v52 =	vor.u32 v60, v42  }
0xc5: {  	s15 =	sadd.s32 s25, s5;
	v54 =	vld [tilespmem:s8+$0x0];
	v45 =	vor.u32 v60, v43  }
0xc6: {  	s9 =	sadd.s32 s24, s5;
	v59 =	vadd.s32 s31, v20;
	v48 =	vld [tilespmem:s15+$0x0]  }
0xc7: {  	v55 =	vor.u32 v59, v44;
	v46 =	vld [tilespmem:s9+$0x0]  }
0xc8: {  	[tilespmem:v63+s16+$0x0] =	vst.idx.add.f32.msk $0xffff, v57  }
0xc9: {  	s10 =	rddreg [dreg:$0x6];
	[tilespmem:v52+s16+$0x0] =	vst.idx.add.f32.msk $0xffff, v58  }
0xca: {  	s3 =	sadd.s32 s28, s7;
	[tilespmem:v45+s16+$0x0] =	vst.idx.add.f32.msk $0xffff, v53  }
0xcb: {  	v60 =	vor.u32 v41, v59;
	v49 =	vld [tilespmem:s3+$0x0];
	s1 =	sadd.s32 s31, s10  }
0xcc: {  	v50 =	vadd.s32 s31, v21;
	[tilespmem:v55+s16+$0x0] =	vst.idx.add.f32.msk $0xffff, v54;
	s11 =	sadd.s32 s2, s1  }
0xcd: {  	v62 =	vor.u32 v50, v44;
	s12 =	sadd.s32 s29, s7;
	v61 =	vld [tilespmem:s11+$0x0]  }
0xce: {  	s0 =	sadd.s32 s30, s7;
	v63 =	vld [tilespmem:s12+$0x0]  }
0xcf: {  	v57 =	vor.u32 v59, v42;
	v58 =	vld [tilespmem:s0+$0x0]  }
0xd0: {  	v47 =	vor.u32 v59, v43;
	s13 =	rddreg [dreg:$0x7];
	s14 =	sadd.s32 s28, s1;
	[tilespmem:v60+s16+$0x0] =	vst.idx.add.f32.msk $0xffff, v49  }
0xd1: {  	s15 =	sadd.s32 s31, s13;
	v45 =	vld [tilespmem:s14+$0x0]  }
0xd2: {  	s3 =	sadd.s32 s2, s15;
	[tilespmem:v62+s16+$0x0] =	vst.idx.add.f32.msk $0xffff, v61  }
0xd3: {  	v49 =	vadd.s32 s31, v22;
	v60 =	vor.u32 v41, v50;
	v51 =	vld [tilespmem:s3+$0x0]  }
0xd4: {  	v59 =	vor.u32 v49, v44;
	s17 =	rddreg [dreg:$0x8];
	[tilespmem:v57+s16+$0x0] =	vst.idx.add.f32.msk $0xffff, v63  }
0xd5: {  	s18 =	sadd.s32 s29, s1;
	[tilespmem:v47+s16+$0x0] =	vst.idx.add.f32.msk $0xffff, v58  }
0xd6: {  	s1 =	sadd.s32 s30, s1;
	v61 =	vld [tilespmem:s18+$0x0]  }
0xd7: {  	v55 =	vld [tilespmem:s1+$0x0]  }
0xd8: {  	v62 =	vor.u32 v50, v42;
	s3 =	sadd.s32 s31, s17;
	[tilespmem:v60+s16+$0x0] =	vst.idx.add.f32.msk $0xffff, v45  }
0xd9: {  	v50 =	vor.u32 v50, v43;
	s4 =	sadd.s32 s2, s3;
	[tilespmem:v59+s16+$0x0] =	vst.idx.add.f32.msk $0xffff, v51;
	v51 =	vadd.s32 s31, v23  }
0xda: {  	s5 =	sadd.s32 s22, s5;
	v52 =	vld [tilespmem:s4+$0x0];
	v56 =	vor.u32 v51, v44  }
0xdb: {  	s7 =	sadd.s32 s28, s15;
	v45 =	vld [tilespmem:s5+$0x0]  }
0xdc: {  	v63 =	vld [tilespmem:s7+$0x0]  }
0xdd: {  	s6 =	rddreg [dreg:$0x9];
	[tilespmem:v62+s16+$0x0] =	vst.idx.add.f32.msk $0xffff, v61  }
0xde: {  	v47 =	vor.u32 v41, v49;
	[tilespmem:v50+s16+$0x0] =	vst.idx.add.f32.msk $0xffff, v55;
	s1 =	sadd.s32 s31, s6  }
0xdf: {  	v53 =	vadd.s32 s31, v24;
	s8 =	sadd.s32 s2, s1;
	[tilespmem:v56+s16+$0x0] =	vst.idx.add.f32.msk $0xffff, v52  }
0xe0: {  	s9 =	sadd.s32 s29, s15;
	v60 =	vor.u32 v53, v44;
	v52 =	vld [tilespmem:s8+$0x0]  }
0xe1: {  	s0 =	sadd.s32 s30, s15;
	v61 =	vld [tilespmem:s9+$0x0]  }
0xe2: {  	v62 =	vor.u32 v49, v42;
	v57 =	vld [tilespmem:s0+$0x0]  }
0xe3: {  	s11 =	sadd.s32 s28, s3;
	v49 =	vor.u32 v49, v43;
	s10 =	rddreg [dreg:$0xa];
	[tilespmem:v47+s16+$0x0] =	vst.idx.add.f32.msk $0xffff, v63  }
0xe4: {  	v47 =	vld [tilespmem:s11+$0x0];
	s12 =	sadd.s32 s31, s10  }
0xe5: {  	s13 =	sadd.s32 s2, s12;
	[tilespmem:v60+s16+$0x0] =	vst.idx.add.f32.msk $0xffff, v52  }
0xe6: {  	v50 =	vadd.s32 s31, v25;
	v60 =	vor.u32 v41, v51;
	v52 =	vld [tilespmem:s13+$0x0]  }
0xe7: {  	v63 =	vor.u32 v50, v44;
	s14 =	rddreg [dreg:$0xb];
	[tilespmem:v62+s16+$0x0] =	vst.idx.add.f32.msk $0xffff, v61  }
0xe8: {  	s15 =	sadd.s32 s29, s3;
	[tilespmem:v49+s16+$0x0] =	vst.idx.add.f32.msk $0xffff, v57  }
0xe9: {  	s3 =	sadd.s32 s30, s3;
	v61 =	vor.u32 v36, v39;
	v56 =	vld [tilespmem:s15+$0x0]  }
0xea: {  	v58 =	vld [tilespmem:s3+$0x0]  }
0xeb: {  	v62 =	vor.u32 v51, v42;
	s4 =	sadd.s32 s31, s14;
	[tilespmem:v60+s16+$0x0] =	vst.idx.add.f32.msk $0xffff, v47  }
0xec: {  	v51 =	vor.u32 v51, v43;
	s0 =	sadd.s32 s2, s4;
	[tilespmem:v63+s16+$0x0] =	vst.idx.add.f32.msk $0xffff, v52;
	v52 =	vadd.s32 s31, v26  }
0xed: {  	v54 =	vld [tilespmem:s0+$0x0];
	v59 =	vor.u32 v52, v44  }
0xee: {  	s18 =	sadd.s32 s28, s1;
	[tilespmem:v61+s16+$0x0] =	vst.idx.add.f32.msk $0xffff, v48  }
0xef: {  	v48 =	vld [tilespmem:s18+$0x0]  }
0xf0: {  	s17 =	rddreg [dreg:$0xc];
	[tilespmem:v62+s16+$0x0] =	vst.idx.add.f32.msk $0xffff, v56  }
0xf1: {  	v47 =	vor.u32 v41, v53;
	[tilespmem:v51+s16+$0x0] =	vst.idx.add.f32.msk $0xffff, v58;
	s0 =	sadd.s32 s31, s17  }
0xf2: {  	v49 =	vadd.s32 s31, v27;
	s6 =	sadd.s32 s2, s0;
	[tilespmem:v59+s16+$0x0] =	vst.idx.add.f32.msk $0xffff, v54  }
0xf3: {  	s7 =	sadd.s32 s29, s1;
	v63 =	vor.u32 v49, v44;
	v51 =	vld [tilespmem:s6+$0x0]  }
0xf4: {  	s1 =	sadd.s32 s30, s1;
	v60 =	vld [tilespmem:s7+$0x0]  }
0xf5: {  	v61 =	vor.u32 v53, v42;
	v62 =	vld [tilespmem:s1+$0x0]  }
0xf6: {  	s9 =	sadd.s32 s28, s12;
	v53 =	vor.u32 v53, v43;
	s8 =	rddreg [dreg:$0xd];
	[tilespmem:v47+s16+$0x0] =	vst.idx.add.f32.msk $0xffff, v48  }
0xf7: {  	v47 =	vld [tilespmem:s9+$0x0];
	s1 =	sadd.s32 s31, s8  }
0xf8: {  	v48 =	vadd.s32 s31, v28;
	s3 =	sadd.s32 s2, s1;
	[tilespmem:v63+s16+$0x0] =	vst.idx.add.f32.msk $0xffff, v51  }
0xf9: {  	v63 =	vor.u32 v48, v44;
	v51 =	vld [tilespmem:s3+$0x0]  }
0xfa: {  	s10 =	rddreg [dreg:$0xe];
	[tilespmem:v61+s16+$0x0] =	vst.idx.add.f32.msk $0xffff, v60;
	v60 =	vor.u32 v41, v50  }
0xfb: {  	s11 =	sadd.s32 s29, s12;
	[tilespmem:v53+s16+$0x0] =	vst.idx.add.f32.msk $0xffff, v62  }
0xfc: {  	s5 =	sadd.s32 s30, s12;
	v61 =	vld [tilespmem:s11+$0x0]  }
0xfd: {  	v62 =	vor.u32 v50, v42;
	v57 =	vld [tilespmem:s5+$0x0]  }
0xfe: {  	v50 =	vor.u32 v50, v43;
	s3 =	sadd.s32 s31, s10;
	[tilespmem:v63+s16+$0x0] =	vst.idx.add.f32.msk $0xffff, v51  }
0xff: {  	s12 =	sadd.s32 s2, s3;
	v51 =	vadd.s32 s31, v29;
	[tilespmem:v60+s16+$0x0] =	vst.idx.add.f32.msk $0xffff, v47  }
0x100: {  	s13 =	sadd.s32 s25, s26;
	v54 =	vld [tilespmem:s12+$0x0];
	v63 =	vor.u32 v51, v44  }
0x101: {  	v47 =	vld [tilespmem:s13+$0x0]  }
0x102: {  	s14 =	rddreg [dreg:$0xf];
	[tilespmem:v62+s16+$0x0] =	vst.idx.add.f32.msk $0xffff, v61  }
0x103: {  	s15 =	sadd.s32 s28, s4;
	[tilespmem:v50+s16+$0x0] =	vst.idx.add.f32.msk $0xffff, v57  }
0x104: {  	v50 =	vor.u32 v41, v52;
	v60 =	vld [tilespmem:s15+$0x0];
	s5 =	sadd.s32 s31, s14  }
0x105: {  	v55 =	vadd.s32 s31, v30;
	s17 =	sadd.s32 s2, s5;
	[tilespmem:v63+s16+$0x0] =	vst.idx.add.f32.msk $0xffff, v54  }
0x106: {  	s18 =	sadd.s32 s29, s4;
	v56 =	vor.u32 v55, v44;
	v54 =	vld [tilespmem:s17+$0x0]  }
0x107: {  	s4 =	sadd.s32 s30, s4;
	v61 =	vld [tilespmem:s18+$0x0]  }
0x108: {  	v62 =	vor.u32 v52, v42;
	v63 =	vld [tilespmem:s4+$0x0]  }
0x109: {  	s7 =	sadd.s32 s28, s0;
	s25 =	rddreg [dreg:$0x10];
	[tilespmem:v50+s16+$0x0] =	vst.idx.add.f32.msk $0xffff, v60;
	v60 =	vor.u32 v39, v37  }
0x10a: {  	v52 =	vor.u32 v52, v43;
	v53 =	vld [tilespmem:s7+$0x0];
	s6 =	sadd.s32 s31, s25  }
0x10b: {  	s8 =	sadd.s32 s2, s6;
	[tilespmem:v56+s16+$0x0] =	vst.idx.add.f32.msk $0xffff, v54  }
0x10c: {  	v54 =	vadd.s32 s31, v31;
	v56 =	vld [tilespmem:s8+$0x0]  }
0x10d: {  	s9 =	rddreg [dreg:$0x11];
	[tilespmem:v62+s16+$0x0] =	vst.idx.add.f32.msk $0xffff, v61;
	v61 =	vor.u32 v54, v44  }
0x10e: {  	[tilespmem:v60+s16+$0x0] =	vst.idx.add.f32.msk $0xffff, v46;
	v62 =	vor.u32 v41, v49  }
0x10f: {  	s10 =	sadd.s32 s29, s0;
	[tilespmem:v52+s16+$0x0] =	vst.idx.add.f32.msk $0xffff, v63  }
0x110: {  	s0 =	sadd.s32 s30, s0;
	v63 =	vor.u32 v49, v42;
	v58 =	vld [tilespmem:s10+$0x0]  }
0x111: {  	v49 =	vor.u32 v49, v43;
	v52 =	vld [tilespmem:s0+$0x0]  }
0x112: {  	s4 =	sadd.s32 s31, s9;
	[tilespmem:v61+s16+$0x0] =	vst.idx.add.f32.msk $0xffff, v56  }
0x113: {  	s11 =	sadd.s32 s2, s4;
	[tilespmem:v62+s16+$0x0] =	vst.idx.add.f32.msk $0xffff, v53  }
0x114: {  	v57 =	vld [tilespmem:s11+$0x0]  }
0x115: {  	v56 =	vadd.s32 s31, v32;
	s13 =	rddreg [dreg:$0x12];
	[tilespmem:v63+s16+$0x0] =	vst.idx.add.f32.msk $0xffff, v58  }
0x116: {  	s14 =	sadd.s32 s28, s1;
	v59 =	vor.u32 v56, v44;
	[tilespmem:v49+s16+$0x0] =	vst.idx.add.f32.msk $0xffff, v52  }
0x117: {  	s15 =	sadd.s32 s29, s1;
	v49 =	vor.u32 v41, v48;
	v60 =	vld [tilespmem:s14+$0x0]  }
0x118: {  	s1 =	sadd.s32 s30, s1;
	v61 =	vor.u32 v48, v42;
	v62 =	vld [tilespmem:s15+$0x0]  }
0x119: {  	v48 =	vor.u32 v48, v43;
	v63 =	vld [tilespmem:s1+$0x0];
	_ =	sdelay $0x1  }
0x11a: {  	[tilespmem:v59+s16+$0x0] =	vst.idx.add.f32.msk $0xffff, v57  }
0x11b: {  	s18 =	rddreg [dreg:$0x13];
	[tilespmem:v49+s16+$0x0] =	vst.idx.add.f32.msk $0xffff, v60  }
0x11c: {  	[tilespmem:v61+s16+$0x0] =	vst.idx.add.f32.msk $0xffff, v62  }
0x11d: {  	s12 =	sadd.s32 s24, s26;
	s24 =	sadd.s32 s28, s3;
	v39 =	vor.u32 v39, v35;
	[tilespmem:v48+s16+$0x0] =	vst.idx.add.f32.msk $0xffff, v63  }
0x11e: {  	s25 =	sadd.s32 s29, s3;
	v59 =	vor.u32 v41, v51;
	v50 =	vld [tilespmem:s24+$0x0]  }
0x11f: {  	s8 =	sadd.s32 s30, s3;
	v60 =	vor.u32 v51, v42;
	v46 =	vld [tilespmem:s25+$0x0]  }
0x120: {  	v61 =	vor.u32 v51, v43;
	v62 =	vld [tilespmem:s8+$0x0];
	_ =	sdelay $0x1  }
0x121: {  	[tilespmem:v39+s16+$0x0] =	vst.idx.add.f32.msk $0xffff, v45  }
0x122: {  	[tilespmem:v59+s16+$0x0] =	vst.idx.add.f32.msk $0xffff, v50  }
0x123: {  	[tilespmem:v60+s16+$0x0] =	vst.idx.add.f32.msk $0xffff, v46  }
0x124: {  	s9 =	sadd.s32 s28, s5;
	[tilespmem:v61+s16+$0x0] =	vst.idx.add.f32.msk $0xffff, v62  }
0x125: {  	s10 =	sadd.s32 s29, s5;
	v63 =	vor.u32 v41, v55;
	v50 =	vld [tilespmem:s9+$0x0]  }
0x126: {  	v58 =	vor.u32 v55, v42;
	s11 =	sadd.s32 s30, s5;
	v46 =	vld [tilespmem:s10+$0x0]  }
0x127: {  	s0 =	sadd.s32 s31, s13;
	v59 =	vor.u32 v55, v43;
	v51 =	vld [tilespmem:s11+$0x0]  }
0x128: {  	v53 =	vld [tilespmem:s12+$0x0];
	s17 =	sadd.s32 s2, s0  }
0x129: {  	v57 =	vld [tilespmem:s17+$0x0]  }
0x12a: {  	v55 =	vadd.s32 s31, v33;
	[tilespmem:v63+s16+$0x0] =	vst.idx.add.f32.msk $0xffff, v50  }
0x12b: {  	v60 =	vor.u32 v55, v44;
	[tilespmem:v58+s16+$0x0] =	vst.idx.add.f32.msk $0xffff, v46  }
0x12c: {  	v34 =	vperm.xlane v34, v16;
	s12 =	sadd.s32 s28, s6;
	[tilespmem:v59+s16+$0x0] =	vst.idx.add.f32.msk $0xffff, v51  }
0x12d: {  	s13 =	sadd.s32 s29, s6;
	v61 =	vor.u32 v41, v54;
	v50 =	vld [tilespmem:s12+$0x0]  }
0x12e: {  	v34 =	vshll.u32 v34, $0xA;
	s14 =	sadd.s32 s30, s6;
	v62 =	vor.u32 v54, v42;
	v52 =	vld [tilespmem:s13+$0x0]  }
0x12f: {  	s15 =	sadd.s32 s31, s18;
	v63 =	vor.u32 v54, v43;
	v46 =	vadd.s32 s23, v34;
	v51 =	vld [tilespmem:s14+$0x0]  }
0x130: {  	s2 =	sadd.s32 s2, s15;
	[tilespmem:v60+s16+$0x0] =	vst.idx.add.f32.msk $0xffff, v57;
	v58 =	vadd.s32 s31, v34;
	v38 =	vor.u32 v46, v38  }
0x131: {  	v57 =	vld [tilespmem:s2+$0x0];
	v44 =	vor.u32 v58, v44  }
0x132: {  	v36 =	vor.u32 v36, v46;
	[tilespmem:v61+s16+$0x0] =	vst.idx.add.f32.msk $0xffff, v50  }
0x133: {  	[tilespmem:v62+s16+$0x0] =	vst.idx.add.f32.msk $0xffff, v52  }
0x134: {  	[tilespmem:v63+s16+$0x0] =	vst.idx.add.f32.msk $0xffff, v51  }
0x135: {  	[tilespmem:v38+s16+$0x0] =	vst.idx.add.f32.msk $0xffff, v40  }
0x136: {  	v37 =	vor.u32 v46, v37;
	[tilespmem:v44+s16+$0x0] =	vst.idx.add.f32.msk $0xffff, v57  }
0x137: {  	s17 =	sadd.s32 s28, s4;
	[tilespmem:v36+s16+$0x0] =	vst.idx.add.f32.msk $0xffff, v47  }
0x138: {  	s18 =	sadd.s32 s29, s4;
	v61 =	vor.u32 v41, v56;
	v59 =	vld [tilespmem:s17+$0x0]  }
0x139: {  	s23 =	sadd.s32 s30, s4;
	v62 =	vor.u32 v56, v42;
	v60 =	vld [tilespmem:s18+$0x0]  }
0x13a: {  	v63 =	vor.u32 v56, v43;
	v49 =	vld [tilespmem:s23+$0x0]  }
0x13b: {  	s24 =	sadd.s32 s22, s26;
	[tilespmem:v37+s16+$0x0] =	vst.idx.add.f32.msk $0xffff, v53  }
0x13c: {  	v44 =	vld [tilespmem:s24+$0x0]  }
0x13d: {  	[tilespmem:v61+s16+$0x0] =	vst.idx.add.f32.msk $0xffff, v59  }
0x13e: {  	[tilespmem:v62+s16+$0x0] =	vst.idx.add.f32.msk $0xffff, v60  }
0x13f: {  	s25 =	sadd.s32 s28, s0;
	v35 =	vor.u32 v46, v35;
	[tilespmem:v63+s16+$0x0] =	vst.idx.add.f32.msk $0xffff, v49  }
0x140: {  	s26 =	sadd.s32 s29, s0;
	v51 =	vor.u32 v41, v55;
	v38 =	vld [tilespmem:s25+$0x0]  }
0x141: {  	p1 =	por p0, p0;
	s3 =	sadd.s32 s28, s15;
	v48 =	vor.u32 v55, v42;
	s31 =	sadd.s32 s30, s0;
	v36 =	vor.u32 v41, v58;
	v39 =	vld [tilespmem:s26+$0x0]  }
0x142: {  	s22 =	sadd.s32 s30, s15;
	s0 =	sadd.s32 s29, s15;
	v37 =	vor.u32 v58, v42;
	v40 =	vor.u32 v58, v43;
	s23 =	simm.s32 $0x4;
	v49 =	vor.u32 v55, v43;
	v43 =	vld [tilespmem:s31+$0x0]  }
.LBB2_6:
0x143: {  	_ = 	snop  }
0x144: {  	s23 =	sadd.s32 $0x4, s23;
	[tilespmem:v35+s16+$0x0] =	vst.idx.add.f32.msk $0xffff, v44  }
0x145: {  	s20 =	sadd.s32 $0x40, s20;
	s2 =	sshll.u32 s23, $0x4;
	[tilespmem:v51+s16+$0x0] =	vst.idx.add.f32.msk $0xffff, v38  }
0x146: {  	s1 =	rddreg [dreg:$0x4];
	s24 =	sand.u32 $0x40, s20;
	s25 =	sand.u32 $0xFFFFFF80, s2;
	[tilespmem:v48+s16+$0x0] =	vst.idx.add.f32.msk $0xffff, v39  }
0x147: {  	s26 =	sor.u32 $0x30, s24;
	s1 =	sadd.s32 s25, s1;
	[tilespmem:v49+s16+$0x0] =	vst.idx.add.f32.msk $0xffff, v43  }
0x148: {  	v57 =	vadd.s32 s25, v19;
	v41 =	vor.u32 s26, v17;
	s8 =	sadd.s32 s26, s1;
	v38 =	vld [tilespmem:s3+$0x0]  }
0x149: {  	v35 =	vmov v40;
	v40 =	vor.u32 s24, v17;
	s28 =	sor.u32 $0x10, s24;
	s7 =	sadd.s32 s24, s1;
	v46 =	vor.u32 v57, v41;
	v45 =	vld [tilespmem:s8+$0x0]  }
0x14a: {  	s29 =	sor.u32 $0x20, s24;
	v42 =	vor.u32 s28, v17;
	v58 =	vor.u32 v40, v57;
	s4 =	sadd.s32 s28, s1;
	v47 =	vld [tilespmem:s7+$0x0]  }
0x14b: {  	s1 =	sadd.s32 s29, s1;
	v59 =	vor.u32 v57, v42;
	v50 =	vld [tilespmem:s4+$0x0]  }
0x14c: {  	v61 =	vld [tilespmem:s1+$0x0]  }
0x14d: {  	v43 =	vor.u32 s29, v17;
	v39 =	vld [tilespmem:s0+$0x0]  }
0x14e: {  	s9 =	rddreg [dreg:$0x5];
	v60 =	vor.u32 v57, v43;
	[tilespmem:v46+s16+$0x0] =	vst.idx.add.f32.msk $0xffff, v45  }
0x14f: {  	s10 =	sadd.s32 s25, s9;
	[tilespmem:v58+s16+$0x0] =	vst.idx.add.f32.msk $0xffff, v47  }
0x150: {  	v52 =	vadd.s32 s25, v20;
	s12 =	sadd.s32 s26, s10;
	[tilespmem:v59+s16+$0x0] =	vst.idx.add.f32.msk $0xffff, v50  }
0x151: {  	s11 =	sadd.s32 s24, s10;
	v54 =	vor.u32 v52, v41;
	v53 =	vld [tilespmem:s12+$0x0]  }
0x152: {  	v62 =	vor.u32 v40, v52;
	v47 =	vld [tilespmem:s11+$0x0]  }
0x153: {  	s2 =	sadd.s32 s28, s10;
	[tilespmem:v60+s16+$0x0] =	vst.idx.add.f32.msk $0xffff, v61  }
0x154: {  	s1 =	sadd.s32 s29, s10;
	v46 =	vor.u32 v52, v42;
	v60 =	vld [tilespmem:s2+$0x0]  }
0x155: {  	s13 =	rddreg [dreg:$0x6];
	v63 =	vor.u32 v52, v43;
	v61 =	vld [tilespmem:s1+$0x0]  }
0x156: {  	s14 =	sadd.s32 s25, s13;
	[tilespmem:v54+s16+$0x0] =	vst.idx.add.f32.msk $0xffff, v53  }
0x157: {  	s5 =	sadd.s32 s26, s14;
	v57 =	vadd.s32 s25, v21;
	[tilespmem:v62+s16+$0x0] =	vst.idx.add.f32.msk $0xffff, v47  }
0x158: {  	v59 =	vor.u32 v57, v41;
	v58 =	vld [tilespmem:s5+$0x0]  }
0x159: {  	[tilespmem:v46+s16+$0x0] =	vst.idx.add.f32.msk $0xffff, v60  }
0x15a: {  	s3 =	sadd.s32 s24, s14;
	[tilespmem:v63+s16+$0x0] =	vst.idx.add.f32.msk $0xffff, v61  }
0x15b: {  	s17 =	rddreg [dreg:$0x7];
	s15 =	sadd.s32 s28, s14;
	v49 =	vor.u32 v40, v57;
	v45 =	vld [tilespmem:s3+$0x0]  }
0x15c: {  	s18 =	sadd.s32 s25, s17;
	v50 =	vor.u32 v57, v42;
	v63 =	vld [tilespmem:s15+$0x0]  }
0x15d: {  	v62 =	vadd.s32 s25, v22;
	s5 =	sadd.s32 s26, s18;
	[tilespmem:v59+s16+$0x0] =	vst.idx.add.f32.msk $0xffff, v58  }
0x15e: {  	s0 =	sadd.s32 s29, s14;
	v56 =	vor.u32 v62, v41;
	v55 =	vld [tilespmem:s5+$0x0]  }
0x15f: {  	v60 =	vld [tilespmem:s0+$0x0]  }
0x160: {  	v48 =	vor.u32 v57, v43;
	[tilespmem:v49+s16+$0x0] =	vst.idx.add.f32.msk $0xffff, v45  }
0x161: {  	s30 =	sadd.s32 s24, s18;
	s8 =	rddreg [dreg:$0x8];
	[tilespmem:v50+s16+$0x0] =	vst.idx.add.f32.msk $0xffff, v63  }
0x162: {  	s9 =	sadd.s32 s25, s8;
	v44 =	vld [tilespmem:s30+$0x0]  }
0x163: {  	s10 =	sadd.s32 s26, s9;
	v61 =	vadd.s32 s25, v23;
	v51 =	vor.u32 v40, v62;
	[tilespmem:v56+s16+$0x0] =	vst.idx.add.f32.msk $0xffff, v55  }
0x164: {  	v57 =	vor.u32 v61, v41;
	v56 =	vld [tilespmem:s10+$0x0]  }
0x165: {  	s31 =	sadd.s32 s28, s18;
	[tilespmem:v48+s16+$0x0] =	vst.idx.add.f32.msk $0xffff, v60  }
0x166: {  	s1 =	sadd.s32 s29, s18;
	v52 =	vor.u32 v62, v42;
	v60 =	vld [tilespmem:s31+$0x0]  }
0x167: {  	s11 =	rddreg [dreg:$0x9];
	v54 =	vor.u32 v40, v61;
	v45 =	vor.u32 v61, v43;
	v55 =	vor.u32 v61, v42;
	v61 =	vld [tilespmem:s1+$0x0]  }
0x168: {  	s6 =	sadd.s32 s24, s9;
	s12 =	sadd.s32 s25, s11;
	v46 =	vor.u32 v62, v43;
	[tilespmem:v51+s16+$0x0] =	vst.idx.add.f32.msk $0xffff, v44  }
0x169: {  	s7 =	sadd.s32 s28, s9;
	s8 =	sadd.s32 s29, s9;
	s9 =	sadd.s32 s26, s12;
	v62 =	vadd.s32 s25, v24;
	[tilespmem:v57+s16+$0x0] =	vst.idx.add.f32.msk $0xffff, v56  }
0x16a: {  	v63 =	vor.u32 v62, v41;
	v50 =	vld [tilespmem:s9+$0x0]  }
0x16b: {  	[tilespmem:v52+s16+$0x0] =	vst.idx.add.f32.msk $0xffff, v60  }
0x16c: {  	v44 =	vld [tilespmem:s6+$0x0]  }
0x16d: {  	s30 =	rddreg [dreg:$0xa];
	[tilespmem:v46+s16+$0x0] =	vst.idx.add.f32.msk $0xffff, v61  }
0x16e: {  	v47 =	vor.u32 v62, v43;
	s31 =	sadd.s32 s25, s30;
	v46 =	vld [tilespmem:s7+$0x0]  }
0x16f: {  	v48 =	vor.u32 v40, v62;
	v49 =	vor.u32 v62, v42;
	v62 =	vadd.s32 s25, v25;
	s3 =	sadd.s32 s26, s31;
	[tilespmem:v63+s16+$0x0] =	vst.idx.add.f32.msk $0xffff, v50  }
0x170: {  	v59 =	vor.u32 v62, v41;
	v58 =	vld [tilespmem:s3+$0x0]  }
0x171: {  	v52 =	vld [tilespmem:s8+$0x0]  }
0x172: {  	s13 =	sadd.s32 s24, s12;
	[tilespmem:v54+s16+$0x0] =	vst.idx.add.f32.msk $0xffff, v44  }
0x173: {  	s14 =	rddreg [dreg:$0xb];
	v44 =	vld [tilespmem:s13+$0x0]  }
0x174: {  	s15 =	sadd.s32 s25, s14;
	[tilespmem:v55+s16+$0x0] =	vst.idx.add.f32.msk $0xffff, v46  }
0x175: {  	s17 =	sadd.s32 s26, s15;
	v56 =	vadd.s32 s25, v26;
	[tilespmem:v59+s16+$0x0] =	vst.idx.add.f32.msk $0xffff, v58  }
0x176: {  	v60 =	vor.u32 v56, v41;
	v59 =	vld [tilespmem:s17+$0x0]  }
0x177: {  	s5 =	sadd.s32 s29, s12;
	[tilespmem:v45+s16+$0x0] =	vst.idx.add.f32.msk $0xffff, v52  }
0x178: {  	v61 =	vld [tilespmem:s5+$0x0]  }
0x179: {  	s18 =	rddreg [dreg:$0xc];
	s6 =	sadd.s32 s24, s31;
	[tilespmem:v48+s16+$0x0] =	vst.idx.add.f32.msk $0xffff, v44  }
0x17a: {  	s7 =	sadd.s32 s25, s18;
	v48 =	vld [tilespmem:s6+$0x0]  }
0x17b: {  	s30 =	sadd.s32 s26, s7;
	v57 =	vor.u32 v40, v56;
	v50 =	vor.u32 v40, v62;
	v63 =	vadd.s32 s25, v27;
	[tilespmem:v60+s16+$0x0] =	vst.idx.add.f32.msk $0xffff, v59  }
0x17c: {  	v54 =	vor.u32 v56, v43;
	v58 =	vor.u32 v56, v42;
	v56 =	vor.u32 v63, v41;
	v46 =	vld [tilespmem:s30+$0x0];
	_ =	sdelay $0x1  }
0x17d: {  	s0 =	sadd.s32 s28, s12;
	[tilespmem:v47+s16+$0x0] =	vst.idx.add.f32.msk $0xffff, v61  }
0x17e: {  	s2 =	sadd.s32 s28, s31;
	s10 =	sadd.s32 s29, s31;
	s31 =	rddreg [dreg:$0xd];
	v59 =	vld [tilespmem:s0+$0x0]  }
0x17f: {  	s4 =	sadd.s32 s24, s7;
	s8 =	sadd.s32 s25, s31;
	[tilespmem:v50+s16+$0x0] =	vst.idx.add.f32.msk $0xffff, v48  }
0x180: {  	s18 =	sadd.s32 s28, s7;
	s13 =	sadd.s32 s29, s7;
	s7 =	sadd.s32 s26, s8;
	v45 =	vadd.s32 s25, v28;
	[tilespmem:v56+s16+$0x0] =	vst.idx.add.f32.msk $0xffff, v46  }
0x181: {  	v53 =	vor.u32 v62, v42;
	v51 =	vor.u32 v62, v43;
	s1 =	sadd.s32 s24, s15;
	v62 =	vor.u32 v45, v41;
	v46 =	vld [tilespmem:s7+$0x0]  }
0x182: {  	v48 =	vld [tilespmem:s1+$0x0]  }
0x183: {  	[tilespmem:v49+s16+$0x0] =	vst.idx.add.f32.msk $0xffff, v59  }
0x184: {  	s9 =	rddreg [dreg:$0xe];
	v59 =	vld [tilespmem:s10+$0x0]  }
0x185: {  	s5 =	sadd.s32 s25, s9;
	v49 =	vld [tilespmem:s2+$0x0]  }
0x186: {  	v52 =	vor.u32 v40, v63;
	v61 =	vadd.s32 s25, v29;
	s10 =	sadd.s32 s26, s5;
	[tilespmem:v62+s16+$0x0] =	vst.idx.add.f32.msk $0xffff, v46  }
0x187: {  	v55 =	vor.u32 v63, v42;
	v60 =	vor.u32 v63, v43;
	v63 =	vor.u32 v61, v41;
	v62 =	vld [tilespmem:s10+$0x0]  }
0x188: {  	[tilespmem:v57+s16+$0x0] =	vst.idx.add.f32.msk $0xffff, v48  }
0x189: {  	v48 =	vld [tilespmem:s4+$0x0]  }
0x18a: {  	[tilespmem:v51+s16+$0x0] =	vst.idx.add.f32.msk $0xffff, v59  }
0x18b: {  	v47 =	vor.u32 v40, v61;
	v50 =	vor.u32 v61, v43;
	[tilespmem:v53+s16+$0x0] =	vst.idx.add.f32.msk $0xffff, v49;
	v49 =	vadd.s32 s25, v30  }
0x18c: {  	s14 =	rddreg [dreg:$0xf];
	s12 =	sadd.s32 s29, s15;
	v46 =	vor.u32 v61, v42;
	v53 =	vor.u32 v40, v49;
	[tilespmem:v63+s16+$0x0] =	vst.idx.add.f32.msk $0xffff, v62  }
0x18d: {  	s11 =	sadd.s32 s28, s15;
	s15 =	sadd.s32 s25, s14;
	v59 =	vor.u32 v49, v42;
	v61 =	vor.u32 v49, v41;
	v63 =	vor.u32 v49, v43;
	v49 =	vld [tilespmem:s12+$0x0]  }
0x18e: {  	s17 =	sadd.s32 s26, s15  }
0x18f: {  	v51 =	vld [tilespmem:s17+$0x0]  }
0x190: {  	[tilespmem:v52+s16+$0x0] =	vst.idx.add.f32.msk $0xffff, v48  }
0x191: {  	s6 =	sadd.s32 s24, s8;
	v62 =	vld [tilespmem:s11+$0x0]  }
0x192: {  	s0 =	sadd.s32 s28, s8;
	s30 =	sadd.s32 s29, s8;
	s8 =	rddreg [dreg:$0x10];
	[tilespmem:v54+s16+$0x0] =	vst.idx.add.f32.msk $0xffff, v49  }
0x193: {  	s1 =	sadd.s32 s25, s8;
	v54 =	vld [tilespmem:s13+$0x0]  }
0x194: {  	v57 =	vadd.s32 s25, v31;
	s9 =	sadd.s32 s26, s1;
	[tilespmem:v61+s16+$0x0] =	vst.idx.add.f32.msk $0xffff, v51  }
0x195: {  	v1 =	vor.u32 v57, v41;
	v51 =	vld [tilespmem:s9+$0x0]  }
0x196: {  	[tilespmem:v58+s16+$0x0] =	vst.idx.add.f32.msk $0xffff, v62  }
0x197: {  	s14 =	rddreg [dreg:$0x11];
	s31 =	sadd.s32 s28, s15;
	v49 =	vld [tilespmem:s18+$0x0]  }
0x198: {  	s7 =	sadd.s32 s24, s15;
	s10 =	sadd.s32 s29, s15;
	s15 =	sadd.s32 s24, s1;
	[tilespmem:v60+s16+$0x0] =	vst.idx.add.f32.msk $0xffff, v54  }
0x199: {  	v56 =	vor.u32 v40, v45;
	s11 =	sadd.s32 s28, s1;
	s12 =	sadd.s32 s29, s1;
	s1 =	sadd.s32 s25, s14;
	v54 =	vld [tilespmem:s6+$0x0]  }
0x19a: {  	s17 =	sadd.s32 s26, s1;
	v58 =	vadd.s32 s25, v32;
	[tilespmem:v1+s16+$0x0] =	vst.idx.add.f32.msk $0xffff, v51  }
0x19b: {  	v2 =	vor.u32 v58, v41;
	v51 =	vld [tilespmem:s17+$0x0]  }
0x19c: {  	[tilespmem:v55+s16+$0x0] =	vst.idx.add.f32.msk $0xffff, v49  }
0x19d: {  	v62 =	vor.u32 v58, v42;
	v52 =	vor.u32 v58, v43;
	v1 =	vor.u32 v40, v58;
	v58 =	vld [tilespmem:s0+$0x0]  }
0x19e: {  	s3 =	sadd.s32 s24, s5;
	[tilespmem:v56+s16+$0x0] =	vst.idx.add.f32.msk $0xffff, v54  }
0x19f: {  	v44 =	vor.u32 v45, v42;
	v60 =	vadd.s32 s25, v33;
	v54 =	vld [tilespmem:s3+$0x0]  }
0x1a0: {  	s8 =	rddreg [dreg:$0x12];
	v45 =	vor.u32 v45, v43;
	s14 =	sadd.s32 s29, s1;
	v48 =	vor.u32 v60, v42;
	[tilespmem:v2+s16+$0x0] =	vst.idx.add.f32.msk $0xffff, v51  }
0x1a1: {  	s18 =	sadd.s32 s24, s1;
	s13 =	sadd.s32 s28, s1;
	s1 =	sadd.s32 s25, s8;
	v55 =	vor.u32 v60, v41;
	v49 =	vor.u32 v60, v43;
	v51 =	vor.u32 v40, v60;
	v60 =	vld [tilespmem:s30+$0x0]  }
0x1a2: {  	s9 =	sadd.s32 s26, s1  }
0x1a3: {  	v2 =	vld [tilespmem:s9+$0x0]  }
0x1a4: {  	[tilespmem:v44+s16+$0x0] =	vst.idx.add.f32.msk $0xffff, v58  }
0x1a5: {  	[tilespmem:v47+s16+$0x0] =	vst.idx.add.f32.msk $0xffff, v54  }
0x1a6: {  	[tilespmem:v45+s16+$0x0] =	vst.idx.add.f32.msk $0xffff, v60  }
0x1a7: {  	v0 =	vor.u32 v57, v42;
	v56 =	vadd.s32 s25, v34;
	v60 =	vld [tilespmem:s7+$0x0]  }
0x1a8: {  	s2 =	sadd.s32 s28, s5;
	v61 =	vor.u32 v40, v57;
	v42 =	vor.u32 v56, v42;
	[tilespmem:v55+s16+$0x0] =	vst.idx.add.f32.msk $0xffff, v2  }
0x1a9: {  	s5 =	sadd.s32 s29, s5;
	s17 =	rddreg [dreg:$0x13];
	v41 =	vor.u32 v56, v41;
	v2 =	vor.u32 v40, v56;
	v40 =	vor.u32 v56, v43;
	v56 =	vld [tilespmem:s2+$0x0]  }
0x1aa: {  	s4 =	sadd.s32 s25, s17;
	v58 =	vld [tilespmem:s5+$0x0]  }
0x1ab: {  	s30 =	sadd.s32 s26, s4  }
0x1ac: {  	v55 =	vld [tilespmem:s30+$0x0]  }
0x1ad: {  	[tilespmem:v53+s16+$0x0] =	vst.idx.add.f32.msk $0xffff, v60  }
0x1ae: {  	[tilespmem:v46+s16+$0x0] =	vst.idx.add.f32.msk $0xffff, v56  }
0x1af: {  	[tilespmem:v50+s16+$0x0] =	vst.idx.add.f32.msk $0xffff, v58  }
0x1b0: {  	v57 =	vor.u32 v57, v43;
	v43 =	vld [tilespmem:s31+$0x0]  }
0x1b1: {  	v45 =	vld [tilespmem:s10+$0x0]  }
0x1b2: {  	[tilespmem:v41+s16+$0x0] =	vst.idx.add.f32.msk $0xffff, v55  }
0x1b3: {  	v41 =	vld [tilespmem:s15+$0x0]  }
0x1b4: {  	v44 =	vld [tilespmem:s22+$0x0]  }
0x1b5: {  	[tilespmem:v59+s16+$0x0] =	vst.idx.add.f32.msk $0xffff, v43  }
0x1b6: {  	[tilespmem:v63+s16+$0x0] =	vst.idx.add.f32.msk $0xffff, v45  }
0x1b7: {  	v43 =	vld [tilespmem:s11+$0x0]  }
0x1b8: {  	v45 =	vld [tilespmem:s12+$0x0]  }
0x1b9: {  	[tilespmem:v61+s16+$0x0] =	vst.idx.add.f32.msk $0xffff, v41  }
0x1ba: {  	v41 =	vld [tilespmem:s18+$0x0]  }
0x1bb: {  	[tilespmem:v36+s16+$0x0] =	vst.idx.add.f32.msk $0xffff, v38  }
0x1bc: {  	[tilespmem:v0+s16+$0x0] =	vst.idx.add.f32.msk $0xffff, v43  }
0x1bd: {  	[tilespmem:v57+s16+$0x0] =	vst.idx.add.f32.msk $0xffff, v45  }
0x1be: {  	v0 =	vld [tilespmem:s13+$0x0]  }
0x1bf: {  	v36 =	vmov v2;
	v2 =	vld [tilespmem:s14+$0x0]  }
0x1c0: {  	s8 =	sadd.s32 s24, s1;
	[tilespmem:v1+s16+$0x0] =	vst.idx.add.f32.msk $0xffff, v41  }
0x1c1: {  	p0 =	slt.u32 s23, $0x3C;
	v38 =	vld [tilespmem:s8+$0x0]  }
.Ltmp3:
0x1c2: {  	[tilespmem:v37+s16+$0x0] =	vst.idx.add.f32.msk $0xffff, v39;
	(pc) =	sbr.rel @p0 .LBB2_6-.Ltmp3, $4  }
0x1c3: {  	[tilespmem:v62+s16+$0x0] =	vst.idx.add.f32.msk $0xffff, v0  }
0x1c4: {  	s6 =	sadd.s32 s28, s1;
	s1 =	sadd.s32 s29, s1;
	[tilespmem:v52+s16+$0x0] =	vst.idx.add.f32.msk $0xffff, v2  }
0x1c5: {  	s0 =	sadd.s32 s28, s4;
	s3 =	sadd.s32 s24, s4;
	s4 =	sadd.s32 s29, s4;
	v39 =	vld [tilespmem:s6+$0x0]  }
0x1c6: {  	s22 =	smov.u32 s4;
	v37 =	vmov v42;
	v43 =	vld [tilespmem:s1+$0x0]  }
0x1c7: {  	_ =	sdelay $0x3  }
0x1c8: {  	[tilespmem:v51+s16+$0x0] =	vst.idx.add.f32.msk $0xffff, v38  }
0x1c9: {  	v0 =	vld [tilespmem:s3+$0x0]  }
0x1ca: {  	[tilespmem:v48+s16+$0x0] =	vst.idx.add.f32.msk $0xffff, v39  }
0x1cb: {  	[tilespmem:v49+s16+$0x0] =	vst.idx.add.f32.msk $0xffff, v43  }
0x1cc: {  	v1 =	vld [tilespmem:s0+$0x0]  }
0x1cd: {  	v2 =	vld [tilespmem:s22+$0x0]  }
.Ltmp4:
0x1ce: {  	_ = 	snop;
	(pc) =	sbr.rel @p1 .LBB2_5-.Ltmp4, $4  }
0x1cf: {  	[tilespmem:v35+s16+$0x0] =	vst.idx.add.f32.msk $0xffff, v44  }
0x1d0: {  	[tilespmem:v36+s16+$0x0] =	vst.idx.add.f32.msk $0xffff, v0  }
0x1d1: {  	[tilespmem:v37+s16+$0x0] =	vst.idx.add.f32.msk $0xffff, v1  }
0x1d2: {  	p0 =	por $0x0, $0x0;
	s0 =	simm.s32 $0x1;
	[tilespmem:v40+s16+$0x0] =	vst.idx.add.f32.msk $0xffff, v2  }
0x1d3: {  	s0 =	sld [smem:$0x7FA];
	_ =	sdelay $0x1  }
0x1d4: {  	s20 =	sshll.u32 s19, $0x13;
	p0 =	seq.s32 s19, $0xF  }
0x1d5: {  	s0 =	sadd.s32 @!p0 s20, s0  }
0x1d6: {  	s1 =	rddreg [dreg:$0x0];
	s30 =	simm.s32 $0x2;
	s0 =	sshrl.u32 @!p0 s0, $0x3  }
0x1d7: {  	s2 =	simm.s32 @!p0 $0x400;
	s0 =	sadd.s32 @!p0 s1, s0;
	s1 =	simm.s32 @!p0 $0x2000  }
0x1d8: {  	[tilespmem:s2], [sflag:$0x1] =	stream.strided.gather @!p0 [hbm4b:s0+s2], $0x8000, s1, s2, $0x38;
	[tilespmem:$0x14400] =	vst v63  }
0x1d9: {  	_ =	swait.ge [sflag:s30], $0x8000  }
0x1da: {  	s31 =	sadd.s32 $0x20, s21;
	s21 =	simm.s32 $0x0;
	[sflag:s30] =	ssyncset.done $0x0  }
0x1db: {  	p1 =	por $0x1, $0x1;
	v18 =	vmov s31;
	s0 =	simm.s32 $0x0;
	[sflag:s30] =	ssyncadd.s32 $0xFFFF8000  }
.LBB2_9:
0x1dc: {  	s1 =	sshll.u32 s0, $0xE  }
0x1dd: {  	s1 =	sand.u32 $0x3FFFC000, s1  }
0x1de: {  	s2 =	sadd.s32 $0x8400, s1  }
0x1df: {  	s7 =	sadd.s32 $0x8800, s1;
	[dreg:$0x14] =	wrdreg s2  }
0x1e0: {  	s8 =	sadd.s32 $0x8C00, s1;
	[dreg:$0x15] =	wrdreg s7  }
0x1e1: {  	s9 =	sadd.s32 $0x9000, s1;
	[dreg:$0x16] =	wrdreg s8  }
0x1e2: {  	s10 =	sadd.s32 $0x9400, s1;
	[dreg:$0x17] =	wrdreg s9  }
0x1e3: {  	s11 =	sadd.s32 $0x9800, s1;
	[dreg:$0x18] =	wrdreg s10  }
0x1e4: {  	s12 =	sadd.s32 $0x9C00, s1;
	[dreg:$0x19] =	wrdreg s11  }
0x1e5: {  	s14 =	sshll.u32 s0, $0x4;
	s13 =	sadd.s32 $0xA000, s1;
	[dreg:$0x1a] =	wrdreg s12  }
0x1e6: {  	s0 =	sand.u32 $0x3FFFFFF0, s14;
	s15 =	sadd.s32 $0xA400, s1;
	[dreg:$0x1b] =	wrdreg s13  }
0x1e7: {  	s17 =	sadd.s32 $0xA800, s1;
	v34 =	vld.idx.msk [tilespmem:v18+s0+$0x0 ss:$0x1], $0xffff;
	[dreg:$0x1c] =	wrdreg s15  }
0x1e8: {  	s18 =	sadd.s32 $0xAC00, s1;
	[dreg:$0x1d] =	wrdreg s17  }
0x1e9: {  	s22 =	sadd.s32 $0xB000, s1;
	[dreg:$0x1e] =	wrdreg s18  }
0x1ea: {  	s23 =	sadd.s32 $0xB400, s1;
	[dreg:$0x1f] =	wrdreg s22  }
0x1eb: {  	v0 =	vimm.s32 $0x0;
	s3 =	simm.s32 $0x0;
	s24 =	sadd.s32 $0xB800, s1;
	[smem:$0x7F2] =	sst s23  }
0x1ec: {  	s26 =	sand.u32 $0x40, s21;
	s28 =	sadd.s32 $0xBC00, s1;
	[smem:$0x7F3] =	sst s24;
	v0 =	vperm.xlane v34, v0  }
0x1ed: {  	s1 =	sadd.s32 $0xC000, s1;
	s24 =	sand.u32 $0xFFFFFF80, s3;
	s25 =	rddreg [dreg:$0x14]  }
0x1ee: {  	s0 =	sor.u32 $0x30, s26;
	[smem:$0x7F4] =	sst s28;
	s2 =	sadd.s32 s24, s25;
	v19 =	vshll.u32 v0, $0xA  }
0x1ef: {  	[smem:$0x7F5] =	sst s1;
	v38 =	vor.u32 s0, v17;
	s29 =	sadd.s32 s0, s2;
	v0 =	vadd.s32 s24, v19  }
0x1f0: {  	v1 =	vld [tilespmem:s29+$0x0];
	v2 =	vor.u32 v0, v38  }
0x1f1: {  	v20 =	vimm.s32 $0x1;
	v36 =	vor.u32 s26, v17;
	s25 =	sor.u32 $0x10, s26;
	s30 =	sadd.s32 s26, s2  }
0x1f2: {  	s23 =	sor.u32 $0x20, s26;
	s4 =	sadd.s32 s25, s2;
	v37 =	vor.u32 s25, v17;
	v22 =	vld [tilespmem:s30+$0x0];
	v20 =	vperm.xlane v34, v20;
	v21 =	vor.u32 v36, v0  }
0x1f3: {  	s31 =	rddreg [dreg:$0x15];
	v35 =	vor.u32 s23, v17;
	s5 =	sadd.s32 s23, s2;
	v23 =	vld [tilespmem:s4+$0x0];
	v24 =	vor.u32 v0, v37  }
0x1f4: {  	s6 =	sadd.s32 s24, s31;
	v25 =	vld [tilespmem:s5+$0x0];
	v20 =	vshll.u32 v20, $0xA;
	v0 =	vor.u32 v0, v35  }
0x1f5: {  	s7 =	sadd.s32 s0, s6;
	[tilespmem:v2+s16+$0x0] =	vst.idx.add.f32.msk $0xffff, v1;
	v1 =	vadd.s32 s24, v20  }
0x1f6: {  	v2 =	vld [tilespmem:s7+$0x0];
	v26 =	vor.u32 v1, v38  }
0x1f7: {  	[tilespmem:v21+s16+$0x0] =	vst.idx.add.f32.msk $0xffff, v22  }
0x1f8: {  	v21 =	vperm.xlane v34, v3;
	s8 =	rddreg [dreg:$0x16];
	[tilespmem:v24+s16+$0x0] =	vst.idx.add.f32.msk $0xffff, v23  }
0x1f9: {  	s3 =	sadd.s32 s26, s6;
	[tilespmem:v0+s16+$0x0] =	vst.idx.add.f32.msk $0xffff, v25  }
0x1fa: {  	v0 =	vor.u32 v36, v1;
	v22 =	vld [tilespmem:s3+$0x0];
	v21 =	vshll.u32 v21, $0xA;
	s2 =	sadd.s32 s24, s8  }
0x1fb: {  	v24 =	vadd.s32 s24, v21;
	s9 =	sadd.s32 s0, s2;
	[tilespmem:v26+s16+$0x0] =	vst.idx.add.f32.msk $0xffff, v2  }
0x1fc: {  	s10 =	sadd.s32 s25, s6;
	v23 =	vor.u32 v24, v38;
	v2 =	vld [tilespmem:s9+$0x0]  }
0x1fd: {  	s1 =	sadd.s32 s23, s6;
	v25 =	vld [tilespmem:s10+$0x0]  }
0x1fe: {  	v27 =	vor.u32 v1, v37;
	v28 =	vld [tilespmem:s1+$0x0];
	v26 =	vperm.xlane v34, v4  }
0x1ff: {  	v1 =	vor.u32 v1, v35;
	s12 =	sadd.s32 s26, s2;
	s11 =	rddreg [dreg:$0x17];
	[tilespmem:v0+s16+$0x0] =	vst.idx.add.f32.msk $0xffff, v22  }
0x200: {  	v22 =	vshll.u32 v26, $0xA;
	v0 =	vld [tilespmem:s12+$0x0];
	s13 =	sadd.s32 s24, s11  }
0x201: {  	v26 =	vadd.s32 s24, v22;
	s3 =	sadd.s32 s0, s13;
	[tilespmem:v23+s16+$0x0] =	vst.idx.add.f32.msk $0xffff, v2  }
0x202: {  	v29 =	vor.u32 v26, v38;
	v2 =	vld [tilespmem:s3+$0x0]  }
0x203: {  	s14 =	rddreg [dreg:$0x18];
	[tilespmem:v27+s16+$0x0] =	vst.idx.add.f32.msk $0xffff, v25  }
0x204: {  	s15 =	sadd.s32 s25, s2;
	v25 =	vor.u32 v36, v24;
	[tilespmem:v1+s16+$0x0] =	vst.idx.add.f32.msk $0xffff, v28;
	v1 =	vperm.xlane v34, v5  }
0x205: {  	s2 =	sadd.s32 s23, s2;
	v28 =	vor.u32 v24, v37;
	v27 =	vld [tilespmem:s15+$0x0]  }
0x206: {  	s3 =	sadd.s32 s24, s14;
	v30 =	vld [tilespmem:s2+$0x0];
	v23 =	vshll.u32 v1, $0xA;
	v1 =	vor.u32 v24, v35  }
0x207: {  	s17 =	sadd.s32 s0, s3;
	[tilespmem:v29+s16+$0x0] =	vst.idx.add.f32.msk $0xffff, v2;
	v2 =	vadd.s32 s24, v23  }
0x208: {  	v29 =	vld [tilespmem:s17+$0x0];
	v31 =	vor.u32 v2, v38  }
0x209: {  	[tilespmem:v25+s16+$0x0] =	vst.idx.add.f32.msk $0xffff, v0  }
0x20a: {  	v0 =	vperm.xlane v34, v6;
	s18 =	rddreg [dreg:$0x19];
	[tilespmem:v28+s16+$0x0] =	vst.idx.add.f32.msk $0xffff, v27  }
0x20b: {  	s22 =	sadd.s32 s26, s13;
	[tilespmem:v1+s16+$0x0] =	vst.idx.add.f32.msk $0xffff, v30  }
0x20c: {  	v24 =	vshll.u32 v0, $0xA;
	v0 =	vor.u32 v36, v26;
	v1 =	vld [tilespmem:s22+$0x0];
	s2 =	sadd.s32 s24, s18  }
0x20d: {  	v28 =	vadd.s32 s24, v24;
	s28 =	sadd.s32 s0, s2;
	[tilespmem:v31+s16+$0x0] =	vst.idx.add.f32.msk $0xffff, v29  }
0x20e: {  	s5 =	sadd.s32 s25, s13;
	v29 =	vor.u32 v28, v38;
	v27 =	vld [tilespmem:s28+$0x0]  }
0x20f: {  	s1 =	sadd.s32 s23, s13;
	v30 =	vld [tilespmem:s5+$0x0]  }
0x210: {  	v25 =	vperm.xlane v34, v7;
	v32 =	vld [tilespmem:s1+$0x0];
	v31 =	vor.u32 v26, v37  }
0x211: {  	s30 =	sadd.s32 s26, s3;
	v26 =	vor.u32 v26, v35;
	s29 =	rddreg [dreg:$0x1a];
	[tilespmem:v0+s16+$0x0] =	vst.idx.add.f32.msk $0xffff, v1  }
0x212: {  	v25 =	vshll.u32 v25, $0xA;
	v0 =	vld [tilespmem:s30+$0x0];
	s31 =	sadd.s32 s24, s29  }
0x213: {  	v1 =	vadd.s32 s24, v25;
	s4 =	sadd.s32 s0, s31;
	[tilespmem:v29+s16+$0x0] =	vst.idx.add.f32.msk $0xffff, v27  }
0x214: {  	v29 =	vor.u32 v1, v38;
	v27 =	vld [tilespmem:s4+$0x0]  }
0x215: {  	s7 =	rddreg [dreg:$0x1b];
	[tilespmem:v31+s16+$0x0] =	vst.idx.add.f32.msk $0xffff, v30  }
0x216: {  	s8 =	sadd.s32 s25, s3;
	v30 =	vor.u32 v36, v2;
	[tilespmem:v26+s16+$0x0] =	vst.idx.add.f32.msk $0xffff, v32;
	v26 =	vperm.xlane v34, v8  }
0x217: {  	s3 =	sadd.s32 s23, s3;
	v47 =	vor.u32 v2, v37;
	v31 =	vld [tilespmem:s8+$0x0]  }
0x218: {  	v2 =	vor.u32 v2, v35;
	s4 =	sadd.s32 s24, s7;
	v33 =	vld [tilespmem:s3+$0x0];
	v26 =	vshll.u32 v26, $0xA  }
0x219: {  	s9 =	sadd.s32 s0, s4;
	v39 =	vadd.s32 s24, v26;
	[tilespmem:v29+s16+$0x0] =	vst.idx.add.f32.msk $0xffff, v27  }
0x21a: {  	v40 =	vor.u32 v39, v38;
	v29 =	vld [tilespmem:s9+$0x0]  }
0x21b: {  	[tilespmem:v30+s16+$0x0] =	vst.idx.add.f32.msk $0xffff, v0  }
0x21c: {  	v0 =	vperm.xlane v34, v9;
	s10 =	rddreg [dreg:$0x1c];
	[tilespmem:v47+s16+$0x0] =	vst.idx.add.f32.msk $0xffff, v31  }
0x21d: {  	s11 =	sadd.s32 s26, s2;
	[tilespmem:v2+s16+$0x0] =	vst.idx.add.f32.msk $0xffff, v33  }
0x21e: {  	v2 =	vld [tilespmem:s11+$0x0];
	v27 =	vshll.u32 v0, $0xA;
	v0 =	vor.u32 v36, v28;
	s12 =	sadd.s32 s24, s10  }
0x21f: {  	v48 =	vadd.s32 s24, v27;
	s3 =	sadd.s32 s0, s12;
	[tilespmem:v40+s16+$0x0] =	vst.idx.add.f32.msk $0xffff, v29  }
0x220: {  	s6 =	sadd.s32 s25, s2;
	v30 =	vor.u32 v48, v38;
	v29 =	vld [tilespmem:s3+$0x0]  }
0x221: {  	s2 =	sadd.s32 s23, s2;
	v31 =	vld [tilespmem:s6+$0x0]  }
0x222: {  	v49 =	vperm.xlane v34, v10;
	v50 =	vor.u32 v28, v37;
	v41 =	vld [tilespmem:s2+$0x0]  }
0x223: {  	v42 =	vor.u32 v28, v35;
	s14 =	sadd.s32 s26, s31;
	s13 =	rddreg [dreg:$0x1d];
	[tilespmem:v0+s16+$0x0] =	vst.idx.add.f32.msk $0xffff, v2  }
0x224: {  	v28 =	vshll.u32 v49, $0xA;
	v0 =	vld [tilespmem:s14+$0x0];
	s15 =	sadd.s32 s24, s13  }
0x225: {  	v2 =	vadd.s32 s24, v28;
	s3 =	sadd.s32 s0, s15;
	[tilespmem:v30+s16+$0x0] =	vst.idx.add.f32.msk $0xffff, v29  }
0x226: {  	v51 =	vor.u32 v2, v38;
	v30 =	vld [tilespmem:s3+$0x0]  }
0x227: {  	s17 =	rddreg [dreg:$0x1e];
	[tilespmem:v50+s16+$0x0] =	vst.idx.add.f32.msk $0xffff, v31  }
0x228: {  	s18 =	sadd.s32 s25, s31;
	v29 =	vperm.xlane v34, v11;
	v31 =	vor.u32 v36, v1;
	[tilespmem:v42+s16+$0x0] =	vst.idx.add.f32.msk $0xffff, v41  }
0x229: {  	v52 =	vor.u32 v1, v37;
	s7 =	sadd.s32 s23, s31;
	v40 =	vld [tilespmem:s18+$0x0]  }
0x22a: {  	v1 =	vor.u32 v1, v35;
	s1 =	sadd.s32 s24, s17;
	v42 =	vld [tilespmem:s7+$0x0];
	v29 =	vshll.u32 v29, $0xA  }
0x22b: {  	s3 =	sadd.s32 s0, s1;
	v43 =	vadd.s32 s24, v29;
	[tilespmem:v51+s16+$0x0] =	vst.idx.add.f32.msk $0xffff, v30  }
0x22c: {  	v44 =	vor.u32 v43, v38;
	v32 =	vld [tilespmem:s3+$0x0]  }
0x22d: {  	[tilespmem:v31+s16+$0x0] =	vst.idx.add.f32.msk $0xffff, v0  }
0x22e: {  	v0 =	vperm.xlane v34, v12;
	s22 =	rddreg [dreg:$0x1f];
	[tilespmem:v52+s16+$0x0] =	vst.idx.add.f32.msk $0xffff, v40  }
0x22f: {  	s28 =	sadd.s32 s26, s4;
	[tilespmem:v1+s16+$0x0] =	vst.idx.add.f32.msk $0xffff, v42  }
0x230: {  	v1 =	vld [tilespmem:s28+$0x0];
	v30 =	vshll.u32 v0, $0xA;
	v0 =	vor.u32 v36, v39;
	s3 =	sadd.s32 s24, s22  }
0x231: {  	v41 =	vadd.s32 s24, v30;
	s29 =	sadd.s32 s0, s3;
	[tilespmem:v44+s16+$0x0] =	vst.idx.add.f32.msk $0xffff, v32  }
0x232: {  	s30 =	sadd.s32 s25, s4;
	v53 =	vor.u32 v41, v38;
	v32 =	vld [tilespmem:s29+$0x0]  }
0x233: {  	s4 =	sadd.s32 s23, s4;
	v54 =	vld [tilespmem:s30+$0x0];
	s31 =	sld [smem:$0x7F2]  }
0x234: {  	v55 =	vor.u32 v39, v37;
	v45 =	vld [tilespmem:s4+$0x0]  }
0x235: {  	s8 =	sadd.s32 s26, s12;
	v39 =	vor.u32 v39, v35;
	[tilespmem:v0+s16+$0x0] =	vst.idx.add.f32.msk $0xffff, v1  }
0x236: {  	v56 =	vor.u32 v36, v48;
	v31 =	vperm.xlane v34, v13;
	v0 =	vld [tilespmem:s8+$0x0];
	s4 =	sadd.s32 s24, s31  }
0x237: {  	s6 =	sadd.s32 s0, s4;
	[tilespmem:v53+s16+$0x0] =	vst.idx.add.f32.msk $0xffff, v32  }
0x238: {  	v31 =	vshll.u32 v31, $0xA;
	v40 =	vld [tilespmem:s6+$0x0]  }
0x239: {  	v1 =	vadd.s32 s24, v31;
	s9 =	sld [smem:$0x7F3];
	[tilespmem:v55+s16+$0x0] =	vst.idx.add.f32.msk $0xffff, v54  }
0x23a: {  	v46 =	vor.u32 v1, v38;
	[tilespmem:v39+s16+$0x0] =	vst.idx.add.f32.msk $0xffff, v45  }
0x23b: {  	s10 =	sadd.s32 s25, s12;
	[tilespmem:v56+s16+$0x0] =	vst.idx.add.f32.msk $0xffff, v0  }
0x23c: {  	v57 =	vperm.xlane v34, v14;
	s5 =	sadd.s32 s23, s12;
	v59 =	vor.u32 v48, v37;
	v58 =	vld [tilespmem:s10+$0x0]  }
0x23d: {  	v33 =	vor.u32 v48, v35;
	s13 =	sadd.s32 s26, s15;
	v45 =	vld [tilespmem:s5+$0x0]  }
0x23e: {  	v32 =	vshll.u32 v57, $0xA;
	v42 =	vld [tilespmem:s13+$0x0];
	s6 =	sadd.s32 s24, s9  }
0x23f: {  	v60 =	vadd.s32 s24, v32;
	s11 =	sadd.s32 s0, s6;
	[tilespmem:v46+s16+$0x0] =	vst.idx.add.f32.msk $0xffff, v40  }
0x240: {  	v0 =	vperm.xlane v34, v15;
	v47 =	vor.u32 v60, v38;
	v40 =	vld [tilespmem:s11+$0x0]  }
0x241: {  	s12 =	sld [smem:$0x7F4];
	[tilespmem:v59+s16+$0x0] =	vst.idx.add.f32.msk $0xffff, v58  }
0x242: {  	s8 =	sadd.s32 s25, s15;
	[tilespmem:v33+s16+$0x0] =	vst.idx.add.f32.msk $0xffff, v45;
	v33 =	vshll.u32 v0, $0xA;
	v0 =	vor.u32 v36, v2  }
0x243: {  	v63 =	vor.u32 v2, v37;
	s2 =	sadd.s32 s23, s15;
	v62 =	vld [tilespmem:s8+$0x0]  }
0x244: {  	v48 =	vld [tilespmem:s2+$0x0];
	s5 =	sadd.s32 s24, s12  }
0x245: {  	v39 =	vadd.s32 s24, v33;
	s14 =	sadd.s32 s0, s5;
	[tilespmem:v47+s16+$0x0] =	vst.idx.add.f32.msk $0xffff, v40  }
0x246: {  	v61 =	vor.u32 v39, v38;
	v40 =	vld [tilespmem:s14+$0x0]  }
0x247: {  	s15 =	sld [smem:$0x7F5];
	[tilespmem:v0+s16+$0x0] =	vst.idx.add.f32.msk $0xffff, v42;
	v0 =	vor.u32 v2, v35  }
0x248: {  	s17 =	sadd.s32 s26, s1;
	[tilespmem:v63+s16+$0x0] =	vst.idx.add.f32.msk $0xffff, v62  }
0x249: {  	s18 =	sadd.s32 s25, s1;
	v50 =	vor.u32 v36, v43;
	v2 =	vld [tilespmem:s17+$0x0]  }
0x24a: {  	v51 =	vor.u32 v43, v37;
	v45 =	vld [tilespmem:s18+$0x0]  }
0x24b: {  	[tilespmem:v61+s16+$0x0] =	vst.idx.add.f32.msk $0xffff, v40  }
0x24c: {  	s22 =	sadd.s32 s23, s1;
	[tilespmem:v0+s16+$0x0] =	vst.idx.add.f32.msk $0xffff, v48  }
0x24d: {  	v52 =	vld [tilespmem:s22+$0x0]  }
0x24e: {  	v0 =	vor.u32 v43, v35;
	[tilespmem:v50+s16+$0x0] =	vst.idx.add.f32.msk $0xffff, v2  }
0x24f: {  	s29 =	sadd.s32 s26, s3;
	[tilespmem:v51+s16+$0x0] =	vst.idx.add.f32.msk $0xffff, v45  }
0x250: {  	s30 =	sadd.s32 s25, s3;
	s28 =	sadd.s32 s24, s15;
	v2 =	vor.u32 v36, v41;
	v42 =	vld [tilespmem:s29+$0x0]  }
0x251: {  	v53 =	vor.u32 v41, v37;
	s0 =	sadd.s32 s0, s28;
	v45 =	vld [tilespmem:s30+$0x0]  }
0x252: {  	v40 =	vld [tilespmem:s0+$0x0]  }
0x253: {  	s31 =	sadd.s32 s23, s3;
	[tilespmem:v0+s16+$0x0] =	vst.idx.add.f32.msk $0xffff, v52  }
0x254: {  	v54 =	vld [tilespmem:s31+$0x0]  }
0x255: {  	s1 =	sadd.s32 s26, s4;
	[tilespmem:v2+s16+$0x0] =	vst.idx.add.f32.msk $0xffff, v42  }
0x256: {  	s10 =	simm.s32 $0x40;
	s2 =	sadd.s32 s25, s4;
	s22 =	simm.s32 $0x40;
	v0 =	vor.u32 v41, v35;
	[tilespmem:v53+s16+$0x0] =	vst.idx.add.f32.msk $0xffff, v45  }
0x257: {  	s9 =	rddreg [dreg:$0x14];
	s29 =	sand.u32 $0x40, s22;
	v44 =	vld [tilespmem:s2+$0x0];
	s2 =	sand.u32 $0xFFFFFF80, s10  }
0x258: {  	s0 =	sor.u32 $0x30, s29;
	v2 =	vor.u32 v36, v1;
	v42 =	vld [tilespmem:s1+$0x0];
	s1 =	sadd.s32 s2, s9  }
0x259: {  	v55 =	vor.u32 v1, v37;
	s12 =	sadd.s32 s0, s1  }
0x25a: {  	v59 =	vld [tilespmem:s12+$0x0]  }
0x25b: {  	s3 =	sadd.s32 s23, s4;
	[tilespmem:v0+s16+$0x0] =	vst.idx.add.f32.msk $0xffff, v54  }
0x25c: {  	v0 =	vor.u32 v1, v35;
	v1 =	vld [tilespmem:s3+$0x0]  }
0x25d: {  	[tilespmem:v2+s16+$0x0] =	vst.idx.add.f32.msk $0xffff, v42  }
0x25e: {  	s4 =	sadd.s32 s26, s6;
	[tilespmem:v55+s16+$0x0] =	vst.idx.add.f32.msk $0xffff, v44  }
0x25f: {  	s7 =	sadd.s32 s25, s6;
	v56 =	vld [tilespmem:s4+$0x0]  }
0x260: {  	v2 =	vor.u32 v36, v60;
	v43 =	vld [tilespmem:s7+$0x0]  }
0x261: {  	v57 =	vor.u32 v60, v37;
	s8 =	sadd.s32 s23, s6;
	s30 =	sor.u32 $0x10, s29;
	[tilespmem:v0+s16+$0x0] =	vst.idx.add.f32.msk $0xffff, v1  }
0x262: {  	s31 =	sor.u32 $0x20, s29;
	s15 =	sadd.s32 s30, s1;
	v0 =	vor.u32 v60, v35;
	v1 =	vld [tilespmem:s8+$0x0]  }
0x263: {  	s13 =	sadd.s32 s29, s1;
	s1 =	sadd.s32 s31, s1;
	v61 =	vld [tilespmem:s15+$0x0]  }
0x264: {  	v50 =	vld [tilespmem:s1+$0x0]  }
0x265: {  	v58 =	vadd.s32 s2, v19;
	v44 =	vor.u32 s0, v17;
	[tilespmem:v2+s16+$0x0] =	vst.idx.add.f32.msk $0xffff, v56  }
0x266: {  	v60 =	vor.u32 v58, v44;
	[tilespmem:v57+s16+$0x0] =	vst.idx.add.f32.msk $0xffff, v43  }
0x267: {  	v41 =	vor.u32 s29, v17;
	[tilespmem:v0+s16+$0x0] =	vst.idx.add.f32.msk $0xffff, v1  }
0x268: {  	s11 =	sadd.s32 s26, s5;
	v42 =	vor.u32 s30, v17;
	v0 =	vor.u32 v41, v58;
	v1 =	vld [tilespmem:s13+$0x0]  }
0x269: {  	s14 =	rddreg [dreg:$0x15];
	v49 =	vor.u32 v58, v42;
	s4 =	sadd.s32 s25, s5;
	v43 =	vor.u32 s31, v17;
	v2 =	vld [tilespmem:s11+$0x0]  }
0x26a: {  	s17 =	sadd.s32 s2, s14;
	v45 =	vor.u32 v58, v43;
	v46 =	vld [tilespmem:s4+$0x0]  }
0x26b: {  	v62 =	vadd.s32 s2, v20;
	s18 =	sadd.s32 s0, s17;
	[tilespmem:v60+s16+$0x0] =	vst.idx.add.f32.msk $0xffff, v59  }
0x26c: {  	v52 =	vor.u32 v62, v44;
	v51 =	vld [tilespmem:s18+$0x0]  }
0x26d: {  	[tilespmem:v0+s16+$0x0] =	vst.idx.add.f32.msk $0xffff, v1  }
0x26e: {  	s6 =	rddreg [dreg:$0x16];
	[tilespmem:v49+s16+$0x0] =	vst.idx.add.f32.msk $0xffff, v61  }
0x26f: {  	s4 =	sadd.s32 s29, s17;
	[tilespmem:v45+s16+$0x0] =	vst.idx.add.f32.msk $0xffff, v50  }
0x270: {  	v0 =	vor.u32 v41, v62;
	v1 =	vld [tilespmem:s4+$0x0];
	s3 =	sadd.s32 s2, s6  }
0x271: {  	v45 =	vadd.s32 s2, v21;
	[tilespmem:v52+s16+$0x0] =	vst.idx.add.f32.msk $0xffff, v51;
	s7 =	sadd.s32 s0, s3  }
0x272: {  	s8 =	sadd.s32 s30, s17;
	v56 =	vor.u32 v45, v44;
	v63 =	vld [tilespmem:s7+$0x0]  }
0x273: {  	s1 =	sadd.s32 s31, s17;
	v57 =	vld [tilespmem:s8+$0x0]  }
0x274: {  	v59 =	vld [tilespmem:s1+$0x0]  }
0x275: {  	v58 =	vor.u32 v62, v42;
	s9 =	rddreg [dreg:$0x17];
	s10 =	sadd.s32 s29, s3;
	[tilespmem:v0+s16+$0x0] =	vst.idx.add.f32.msk $0xffff, v1  }
0x276: {  	v47 =	vor.u32 v62, v43;
	v0 =	vld [tilespmem:s10+$0x0]  }
0x277: {  	s15 =	sadd.s32 s23, s5;
	v61 =	vor.u32 v41, v45;
	s11 =	sadd.s32 s2, s9;
	[tilespmem:v56+s16+$0x0] =	vst.idx.add.f32.msk $0xffff, v63  }
0x278: {  	v53 =	vor.u32 v45, v43;
	s4 =	sadd.s32 s0, s11;
	v1 =	vadd.s32 s2, v22;
	v63 =	vor.u32 v45, v42;
	v45 =	vld [tilespmem:s15+$0x0]  }
0x279: {  	v60 =	vor.u32 v1, v44;
	v48 =	vld [tilespmem:s4+$0x0]  }
0x27a: {  	s12 =	rddreg [dreg:$0x18];
	[tilespmem:v58+s16+$0x0] =	vst.idx.add.f32.msk $0xffff, v57  }
0x27b: {  	s13 =	sadd.s32 s30, s3;
	[tilespmem:v47+s16+$0x0] =	vst.idx.add.f32.msk $0xffff, v59  }
0x27c: {  	s3 =	sadd.s32 s31, s3;
	v62 =	vld [tilespmem:s13+$0x0]  }
0x27d: {  	s4 =	sadd.s32 s2, s12;
	v52 =	vld [tilespmem:s3+$0x0]  }
0x27e: {  	s14 =	sadd.s32 s0, s4;
	[tilespmem:v60+s16+$0x0] =	vst.idx.add.f32.msk $0xffff, v48;
	v48 =	vadd.s32 s2, v23  }
0x27f: {  	v49 =	vld [tilespmem:s14+$0x0];
	v54 =	vor.u32 v48, v44  }
0x280: {  	s18 =	sadd.s32 s29, s11;
	[tilespmem:v61+s16+$0x0] =	vst.idx.add.f32.msk $0xffff, v0  }
0x281: {  	v57 =	vld [tilespmem:s18+$0x0]  }
0x282: {  	s17 =	rddreg [dreg:$0x19];
	[tilespmem:v63+s16+$0x0] =	vst.idx.add.f32.msk $0xffff, v62  }
0x283: {  	v0 =	vor.u32 v41, v1;
	[tilespmem:v53+s16+$0x0] =	vst.idx.add.f32.msk $0xffff, v52;
	s3 =	sadd.s32 s2, s17  }
0x284: {  	v50 =	vadd.s32 s2, v24;
	s6 =	sadd.s32 s0, s3;
	[tilespmem:v54+s16+$0x0] =	vst.idx.add.f32.msk $0xffff, v49  }
0x285: {  	s7 =	sadd.s32 s30, s11;
	v58 =	vor.u32 v50, v44;
	v49 =	vld [tilespmem:s6+$0x0]  }
0x286: {  	s1 =	sadd.s32 s31, s11;
	v59 =	vld [tilespmem:s7+$0x0]  }
0x287: {  	v60 =	vor.u32 v1, v42;
	v61 =	vld [tilespmem:s1+$0x0]  }
0x288: {  	s9 =	sadd.s32 s29, s4;
	v1 =	vor.u32 v1, v43;
	s8 =	rddreg [dreg:$0x1a];
	[tilespmem:v0+s16+$0x0] =	vst.idx.add.f32.msk $0xffff, v57  }
0x289: {  	v63 =	vor.u32 v41, v48;
	v0 =	vld [tilespmem:s9+$0x0];
	s6 =	sadd.s32 s2, s8  }
0x28a: {  	s10 =	sadd.s32 s0, s6;
	[tilespmem:v58+s16+$0x0] =	vst.idx.add.f32.msk $0xffff, v49  }
0x28b: {  	v47 =	vadd.s32 s2, v25;
	v49 =	vld [tilespmem:s10+$0x0]  }
0x28c: {  	v62 =	vor.u32 v47, v44;
	s11 =	rddreg [dreg:$0x1b];
	[tilespmem:v60+s16+$0x0] =	vst.idx.add.f32.msk $0xffff, v59  }
0x28d: {  	[tilespmem:v1+s16+$0x0] =	vst.idx.add.f32.msk $0xffff, v61  }
0x28e: {  	s12 =	sadd.s32 s30, s4;
	v1 =	vor.u32 v36, v39;
	[tilespmem:v63+s16+$0x0] =	vst.idx.add.f32.msk $0xffff, v0  }
0x28f: {  	s4 =	sadd.s32 s31, s4;
	v53 =	vld [tilespmem:s12+$0x0]  }
0x290: {  	v60 =	vor.u32 v48, v42;
	s5 =	sadd.s32 s2, s11;
	v55 =	vld [tilespmem:s4+$0x0]  }
0x291: {  	v48 =	vor.u32 v48, v43;
	s1 =	sadd.s32 s0, s5;
	[tilespmem:v62+s16+$0x0] =	vst.idx.add.f32.msk $0xffff, v49;
	v49 =	vadd.s32 s2, v26  }
0x292: {  	v51 =	vld [tilespmem:s1+$0x0];
	v56 =	vor.u32 v49, v44  }
0x293: {  	s14 =	sadd.s32 s29, s3;
	[tilespmem:v1+s16+$0x0] =	vst.idx.add.f32.msk $0xffff, v2  }
0x294: {  	v1 =	vld [tilespmem:s14+$0x0]  }
0x295: {  	s13 =	rddreg [dreg:$0x1c];
	[tilespmem:v60+s16+$0x0] =	vst.idx.add.f32.msk $0xffff, v53  }
0x296: {  	v0 =	vor.u32 v41, v50;
	[tilespmem:v48+s16+$0x0] =	vst.idx.add.f32.msk $0xffff, v55;
	s1 =	sadd.s32 s2, s13  }
0x297: {  	v2 =	vadd.s32 s2, v27;
	s15 =	sadd.s32 s0, s1;
	[tilespmem:v56+s16+$0x0] =	vst.idx.add.f32.msk $0xffff, v51  }
0x298: {  	s17 =	sadd.s32 s30, s3;
	v62 =	vor.u32 v2, v44;
	v61 =	vld [tilespmem:s15+$0x0]  }
0x299: {  	s3 =	sadd.s32 s31, s3;
	v63 =	vld [tilespmem:s17+$0x0]  }
0x29a: {  	v58 =	vld [tilespmem:s3+$0x0]  }
0x29b: {  	v57 =	vor.u32 v50, v42;
	s8 =	sadd.s32 s29, s6;
	s18 =	rddreg [dreg:$0x1d];
	[tilespmem:v0+s16+$0x0] =	vst.idx.add.f32.msk $0xffff, v1  }
0x29c: {  	v50 =	vor.u32 v50, v43;
	v0 =	vld [tilespmem:s8+$0x0]  }
0x29d: {  	v52 =	vor.u32 v41, v47;
	s12 =	sadd.s32 s26, s28;
	s3 =	sadd.s32 s2, s18;
	[tilespmem:v62+s16+$0x0] =	vst.idx.add.f32.msk $0xffff, v61  }
0x29e: {  	v1 =	vadd.s32 s2, v28;
	s4 =	sadd.s32 s0, s3;
	v61 =	vor.u32 v47, v42;
	v62 =	vor.u32 v47, v43;
	v47 =	vld [tilespmem:s12+$0x0]  }
0x29f: {  	v59 =	vor.u32 v1, v44;
	v48 =	vld [tilespmem:s4+$0x0]  }
0x2a0: {  	s9 =	rddreg [dreg:$0x1e];
	[tilespmem:v57+s16+$0x0] =	vst.idx.add.f32.msk $0xffff, v63  }
0x2a1: {  	s10 =	sadd.s32 s30, s6;
	[tilespmem:v50+s16+$0x0] =	vst.idx.add.f32.msk $0xffff, v58  }
0x2a2: {  	s6 =	sadd.s32 s31, s6;
	v60 =	vld [tilespmem:s10+$0x0]  }
0x2a3: {  	s4 =	sadd.s32 s2, s9;
	v54 =	vld [tilespmem:s6+$0x0]  }
0x2a4: {  	s11 =	sadd.s32 s0, s4;
	[tilespmem:v59+s16+$0x0] =	vst.idx.add.f32.msk $0xffff, v48;
	v48 =	vadd.s32 s2, v29  }
0x2a5: {  	v51 =	vld [tilespmem:s11+$0x0];
	v63 =	vor.u32 v48, v44  }
0x2a6: {  	s14 =	sadd.s32 s29, s5;
	[tilespmem:v52+s16+$0x0] =	vst.idx.add.f32.msk $0xffff, v0  }
0x2a7: {  	v0 =	vor.u32 v41, v49;
	v50 =	vld [tilespmem:s14+$0x0]  }
0x2a8: {  	s13 =	rddreg [dreg:$0x1f];
	[tilespmem:v61+s16+$0x0] =	vst.idx.add.f32.msk $0xffff, v60  }
0x2a9: {  	[tilespmem:v62+s16+$0x0] =	vst.idx.add.f32.msk $0xffff, v54;
	s6 =	sadd.s32 s2, s13  }
0x2aa: {  	v52 =	vadd.s32 s2, v30;
	s15 =	sadd.s32 s0, s6;
	[tilespmem:v63+s16+$0x0] =	vst.idx.add.f32.msk $0xffff, v51  }
0x2ab: {  	v60 =	vor.u32 v52, v44;
	v51 =	vld [tilespmem:s15+$0x0]  }
0x2ac: {  	s17 =	sadd.s32 s30, s5;
	s18 =	sld [smem:$0x7F2];
	[tilespmem:v0+s16+$0x0] =	vst.idx.add.f32.msk $0xffff, v50;
	v0 =	vor.u32 v39, v37  }
0x2ad: {  	s5 =	sadd.s32 s31, s5;
	v61 =	vld [tilespmem:s17+$0x0]  }
0x2ae: {  	s26 =	sadd.s32 s29, s1;
	v62 =	vor.u32 v49, v42;
	v63 =	vld [tilespmem:s5+$0x0]  }
0x2af: {  	v49 =	vor.u32 v49, v43;
	v50 =	vld [tilespmem:s26+$0x0]  }
0x2b0: {  	s7 =	sadd.s32 s2, s18;
	[tilespmem:v60+s16+$0x0] =	vst.idx.add.f32.msk $0xffff, v51  }
0x2b1: {  	s8 =	sadd.s32 s0, s7;
	[tilespmem:v0+s16+$0x0] =	vst.idx.add.f32.msk $0xffff, v46  }
0x2b2: {  	v51 =	vadd.s32 s2, v31;
	v0 =	vor.u32 v41, v2;
	v53 =	vld [tilespmem:s8+$0x0]  }
0x2b3: {  	s9 =	sld [smem:$0x7F3];
	[tilespmem:v62+s16+$0x0] =	vst.idx.add.f32.msk $0xffff, v61;
	v58 =	vor.u32 v51, v44  }
0x2b4: {  	s10 =	sadd.s32 s30, s1;
	[tilespmem:v49+s16+$0x0] =	vst.idx.add.f32.msk $0xffff, v63  }
0x2b5: {  	s1 =	sadd.s32 s31, s1;
	v55 =	vld [tilespmem:s10+$0x0]  }
0x2b6: {  	v59 =	vor.u32 v2, v42;
	v49 =	vld [tilespmem:s1+$0x0]  }
0x2b7: {  	v2 =	vor.u32 v2, v43;
	s5 =	sadd.s32 s2, s9;
	[tilespmem:v0+s16+$0x0] =	vst.idx.add.f32.msk $0xffff, v50  }
0x2b8: {  	s11 =	sadd.s32 s0, s5;
	[tilespmem:v58+s16+$0x0] =	vst.idx.add.f32.msk $0xffff, v53;
	v53 =	vadd.s32 s2, v32  }
0x2b9: {  	s14 =	sadd.s32 s29, s3;
	v54 =	vld [tilespmem:s11+$0x0];
	v0 =	vor.u32 v53, v44  }
0x2ba: {  	v60 =	vld [tilespmem:s14+$0x0]  }
0x2bb: {  	v39 =	vor.u32 v39, v35;
	s13 =	sld [smem:$0x7F4];
	[tilespmem:v59+s16+$0x0] =	vst.idx.add.f32.msk $0xffff, v55  }
0x2bc: {  	s15 =	sadd.s32 s30, s3;
	[tilespmem:v2+s16+$0x0] =	vst.idx.add.f32.msk $0xffff, v49;
	v2 =	vor.u32 v41, v1  }
0x2bd: {  	v61 =	vld [tilespmem:s15+$0x0]  }
0x2be: {  	s3 =	sadd.s32 s31, s3;
	[tilespmem:v0+s16+$0x0] =	vst.idx.add.f32.msk $0xffff, v54;
	v0 =	vor.u32 v1, v42  }
0x2bf: {  	v62 =	vld [tilespmem:s3+$0x0];
	v1 =	vor.u32 v1, v43  }
0x2c0: {  	[tilespmem:v39+s16+$0x0] =	vst.idx.add.f32.msk $0xffff, v45  }
0x2c1: {  	s12 =	sadd.s32 s25, s28;
	s25 =	sadd.s32 s29, s4;
	s18 =	sld [smem:$0x7F5];
	[tilespmem:v2+s16+$0x0] =	vst.idx.add.f32.msk $0xffff, v60  }
0x2c2: {  	v46 =	vld [tilespmem:s25+$0x0]  }
0x2c3: {  	v2 =	vor.u32 v41, v48;
	[tilespmem:v0+s16+$0x0] =	vst.idx.add.f32.msk $0xffff, v61  }
0x2c4: {  	s26 =	sadd.s32 s30, s4;
	[tilespmem:v1+s16+$0x0] =	vst.idx.add.f32.msk $0xffff, v62  }
0x2c5: {  	s4 =	sadd.s32 s31, s4;
	v63 =	vor.u32 v48, v42;
	v0 =	vld [tilespmem:s26+$0x0]  }
0x2c6: {  	v1 =	vor.u32 v48, v43;
	v55 =	vld [tilespmem:s4+$0x0]  }
0x2c7: {  	v50 =	vld [tilespmem:s12+$0x0]  }
0x2c8: {  	s9 =	sadd.s32 s29, s6;
	[tilespmem:v2+s16+$0x0] =	vst.idx.add.f32.msk $0xffff, v46  }
0x2c9: {  	v46 =	vld [tilespmem:s9+$0x0]  }
0x2ca: {  	v2 =	vor.u32 v41, v52;
	[tilespmem:v63+s16+$0x0] =	vst.idx.add.f32.msk $0xffff, v0  }
0x2cb: {  	s10 =	sadd.s32 s30, s6;
	[tilespmem:v1+s16+$0x0] =	vst.idx.add.f32.msk $0xffff, v55  }
0x2cc: {  	v56 =	vor.u32 v52, v42;
	s11 =	sadd.s32 s31, s6;
	s1 =	sadd.s32 s2, s13;
	v0 =	vld [tilespmem:s10+$0x0]  }
0x2cd: {  	s17 =	sadd.s32 s0, s1;
	v1 =	vor.u32 v52, v43;
	v48 =	vld [tilespmem:s11+$0x0]  }
0x2ce: {  	v54 =	vld [tilespmem:s17+$0x0]  }
0x2cf: {  	v57 =	vadd.s32 s2, v33;
	s12 =	sadd.s32 s29, s7;
	[tilespmem:v2+s16+$0x0] =	vst.idx.add.f32.msk $0xffff, v46  }
0x2d0: {  	v2 =	vor.u32 v57, v44;
	v46 =	vld [tilespmem:s12+$0x0]  }
0x2d1: {  	[tilespmem:v56+s16+$0x0] =	vst.idx.add.f32.msk $0xffff, v0  }
0x2d2: {  	s13 =	sadd.s32 s30, s7;
	v0 =	vor.u32 v41, v51;
	[tilespmem:v1+s16+$0x0] =	vst.idx.add.f32.msk $0xffff, v48  }
0x2d3: {  	s14 =	sadd.s32 s31, s7;
	v1 =	vor.u32 v51, v42;
	v49 =	vld [tilespmem:s13+$0x0]  }
0x2d4: {  	v34 =	vperm.xlane v34, v16;
	s15 =	sadd.s32 s2, s18;
	v48 =	vld [tilespmem:s14+$0x0]  }
0x2d5: {  	s0 =	sadd.s32 s0, s15;
	[tilespmem:v2+s16+$0x0] =	vst.idx.add.f32.msk $0xffff, v54;
	v2 =	vor.u32 v51, v43  }
0x2d6: {  	v34 =	vshll.u32 v34, $0xA;
	v58 =	vld [tilespmem:s0+$0x0]  }
0x2d7: {  	[tilespmem:v0+s16+$0x0] =	vst.idx.add.f32.msk $0xffff, v46;
	v0 =	vadd.s32 s24, v34  }
0x2d8: {  	s17 =	sadd.s32 s29, s5;
	v38 =	vor.u32 v0, v38;
	[tilespmem:v1+s16+$0x0] =	vst.idx.add.f32.msk $0xffff, v49  }
0x2d9: {  	v59 =	vld [tilespmem:s17+$0x0];
	v36 =	vor.u32 v36, v0  }
0x2da: {  	s18 =	sadd.s32 s30, s5;
	v61 =	vor.u32 v41, v53;
	[tilespmem:v2+s16+$0x0] =	vst.idx.add.f32.msk $0xffff, v48  }
0x2db: {  	s24 =	sadd.s32 s31, s5;
	v1 =	vadd.s32 s2, v34;
	v37 =	vor.u32 v0, v37;
	v60 =	vld [tilespmem:s18+$0x0]  }
0x2dc: {  	v44 =	vor.u32 v1, v44;
	v2 =	vld [tilespmem:s24+$0x0]  }
0x2dd: {  	v62 =	vor.u32 v53, v42;
	[tilespmem:v38+s16+$0x0] =	vst.idx.add.f32.msk $0xffff, v40  }
0x2de: {  	[tilespmem:v36+s16+$0x0] =	vst.idx.add.f32.msk $0xffff, v47  }
0x2df: {  	[tilespmem:v61+s16+$0x0] =	vst.idx.add.f32.msk $0xffff, v59  }
0x2e0: {  	v63 =	vor.u32 v53, v43;
	[tilespmem:v37+s16+$0x0] =	vst.idx.add.f32.msk $0xffff, v50  }
0x2e1: {  	[tilespmem:v44+s16+$0x0] =	vst.idx.add.f32.msk $0xffff, v58  }
0x2e2: {  	s25 =	sadd.s32 s23, s28;
	[tilespmem:v62+s16+$0x0] =	vst.idx.add.f32.msk $0xffff, v60  }
0x2e3: {  	s26 =	sadd.s32 s29, s1;
	v44 =	vld [tilespmem:s25+$0x0]  }
0x2e4: {  	v35 =	vor.u32 v0, v35;
	v38 =	vld [tilespmem:s26+$0x0]  }
0x2e5: {  	s28 =	sadd.s32 s30, s1;
	v51 =	vor.u32 v41, v57;
	[tilespmem:v63+s16+$0x0] =	vst.idx.add.f32.msk $0xffff, v2  }
0x2e6: {  	p2 =	por p1, p1;
	s3 =	sadd.s32 s29, s15;
	s1 =	sadd.s32 s31, s1;
	v48 =	vor.u32 v57, v42;
	v49 =	vor.u32 v57, v43;
	v39 =	vld [tilespmem:s28+$0x0]  }
0x2e7: {  	s23 =	sadd.s32 s31, s15;
	s0 =	sadd.s32 s30, s15;
	s24 =	simm.s32 $0x4;
	v36 =	vor.u32 v41, v1;
	v37 =	vor.u32 v1, v42;
	v40 =	vor.u32 v1, v43;
	v43 =	vld [tilespmem:s1+$0x0]  }
.LBB2_10:
0x2e8: {  	_ = 	snop  }
0x2e9: {  	s24 =	sadd.s32 $0x4, s24;
	[tilespmem:v35+s16+$0x0] =	vst.idx.add.f32.msk $0xffff, v44  }
0x2ea: {  	s22 =	sadd.s32 $0x40, s22;
	s2 =	sshll.u32 s24, $0x4;
	[tilespmem:v51+s16+$0x0] =	vst.idx.add.f32.msk $0xffff, v38  }
0x2eb: {  	s1 =	rddreg [dreg:$0x14];
	s25 =	sand.u32 $0x40, s22;
	s26 =	sand.u32 $0xFFFFFF80, s2;
	[tilespmem:v48+s16+$0x0] =	vst.idx.add.f32.msk $0xffff, v39  }
0x2ec: {  	s28 =	sor.u32 $0x30, s25;
	s1 =	sadd.s32 s26, s1;
	[tilespmem:v49+s16+$0x0] =	vst.idx.add.f32.msk $0xffff, v43  }
0x2ed: {  	v0 =	vadd.s32 s26, v19;
	v41 =	vor.u32 s28, v17;
	s15 =	sadd.s32 s28, s1;
	v38 =	vld [tilespmem:s3+$0x0]  }
0x2ee: {  	v35 =	vmov v40;
	v40 =	vor.u32 s25, v17;
	s29 =	sor.u32 $0x10, s25;
	s14 =	sadd.s32 s25, s1;
	v53 =	vor.u32 v0, v41;
	v2 =	vld [tilespmem:s15+$0x0]  }
0x2ef: {  	s30 =	sor.u32 $0x20, s25;
	v1 =	vor.u32 v40, v0;
	s4 =	sadd.s32 s29, s1;
	v45 =	vld [tilespmem:s14+$0x0]  }
0x2f0: {  	v42 =	vor.u32 s29, v17;
	s1 =	sadd.s32 s30, s1;
	v47 =	vld [tilespmem:s4+$0x0]  }
0x2f1: {  	v43 =	vor.u32 s30, v17;
	v46 =	vor.u32 v0, v42;
	v54 =	vld [tilespmem:s1+$0x0]  }
0x2f2: {  	s17 =	rddreg [dreg:$0x15];
	v0 =	vor.u32 v0, v43;
	v39 =	vld [tilespmem:s0+$0x0]  }
0x2f3: {  	s18 =	sadd.s32 s26, s17;
	[tilespmem:v53+s16+$0x0] =	vst.idx.add.f32.msk $0xffff, v2  }
0x2f4: {  	v55 =	vadd.s32 s26, v20;
	s4 =	sadd.s32 s28, s18;
	[tilespmem:v1+s16+$0x0] =	vst.idx.add.f32.msk $0xffff, v45  }
0x2f5: {  	v60 =	vor.u32 v55, v41;
	v50 =	vld [tilespmem:s4+$0x0]  }
0x2f6: {  	[tilespmem:v46+s16+$0x0] =	vst.idx.add.f32.msk $0xffff, v47  }
0x2f7: {  	s31 =	sadd.s32 s25, s18;
	[tilespmem:v0+s16+$0x0] =	vst.idx.add.f32.msk $0xffff, v54  }
0x2f8: {  	s5 =	rddreg [dreg:$0x16];
	s2 =	sadd.s32 s29, s18;
	v2 =	vor.u32 v40, v55;
	v0 =	vld [tilespmem:s31+$0x0]  }
0x2f9: {  	s6 =	sadd.s32 s26, s5;
	v56 =	vor.u32 v55, v42;
	v59 =	vld [tilespmem:s2+$0x0]  }
0x2fa: {  	v61 =	vadd.s32 s26, v21;
	s5 =	sadd.s32 s28, s6;
	[tilespmem:v60+s16+$0x0] =	vst.idx.add.f32.msk $0xffff, v50  }
0x2fb: {  	v58 =	vor.u32 v61, v41;
	s1 =	sadd.s32 s30, s18;
	v57 =	vld [tilespmem:s5+$0x0]  }
0x2fc: {  	v60 =	vld [tilespmem:s1+$0x0]  }
0x2fd: {  	v1 =	vor.u32 v55, v43;
	[tilespmem:v2+s16+$0x0] =	vst.idx.add.f32.msk $0xffff, v0  }
0x2fe: {  	s8 =	rddreg [dreg:$0x17];
	s3 =	sadd.s32 s25, s6;
	[tilespmem:v56+s16+$0x0] =	vst.idx.add.f32.msk $0xffff, v59  }
0x2ff: {  	s9 =	sadd.s32 s26, s8;
	v0 =	vld [tilespmem:s3+$0x0]  }
0x300: {  	s11 =	sadd.s32 s28, s9;
	v46 =	vor.u32 v40, v61;
	v2 =	vadd.s32 s26, v22;
	[tilespmem:v58+s16+$0x0] =	vst.idx.add.f32.msk $0xffff, v57  }
0x301: {  	v53 =	vor.u32 v2, v41;
	v52 =	vld [tilespmem:s11+$0x0]  }
0x302: {  	s7 =	sadd.s32 s29, s6;
	[tilespmem:v1+s16+$0x0] =	vst.idx.add.f32.msk $0xffff, v60  }
0x303: {  	v62 =	vor.u32 v61, v42;
	s0 =	sadd.s32 s30, s6;
	v1 =	vld [tilespmem:s7+$0x0]  }
0x304: {  	s12 =	rddreg [dreg:$0x18];
	v63 =	vld [tilespmem:s0+$0x0]  }
0x305: {  	v45 =	vor.u32 v61, v43;
	s3 =	sadd.s32 s26, s12;
	[tilespmem:v46+s16+$0x0] =	vst.idx.add.f32.msk $0xffff, v0  }
0x306: {  	s13 =	sadd.s32 s28, s3;
	v57 =	vadd.s32 s26, v23;
	[tilespmem:v53+s16+$0x0] =	vst.idx.add.f32.msk $0xffff, v52  }
0x307: {  	v54 =	vor.u32 v57, v41;
	v53 =	vld [tilespmem:s13+$0x0]  }
0x308: {  	s10 =	sadd.s32 s25, s9;
	[tilespmem:v62+s16+$0x0] =	vst.idx.add.f32.msk $0xffff, v1  }
0x309: {  	v1 =	vld [tilespmem:s10+$0x0]  }
0x30a: {  	s14 =	rddreg [dreg:$0x19];
	s5 =	sadd.s32 s29, s9;
	v61 =	vor.u32 v40, v2;
	[tilespmem:v45+s16+$0x0] =	vst.idx.add.f32.msk $0xffff, v63  }
0x30b: {  	s15 =	sadd.s32 s26, s14;
	v63 =	vld [tilespmem:s5+$0x0]  }
0x30c: {  	v49 =	vor.u32 v2, v42;
	s7 =	sadd.s32 s28, s15;
	v58 =	vadd.s32 s26, v24;
	[tilespmem:v54+s16+$0x0] =	vst.idx.add.f32.msk $0xffff, v53  }
0x30d: {  	s1 =	sadd.s32 s30, s9;
	v62 =	vor.u32 v58, v41;
	v59 =	vld [tilespmem:s7+$0x0]  }
0x30e: {  	v60 =	vld [tilespmem:s1+$0x0]  }
0x30f: {  	v2 =	vor.u32 v2, v43;
	s6 =	sadd.s32 s25, s3;
	[tilespmem:v61+s16+$0x0] =	vst.idx.add.f32.msk $0xffff, v1  }
0x310: {  	s18 =	rddreg [dreg:$0x1a];
	v1 =	vld [tilespmem:s6+$0x0]  }
0x311: {  	s31 =	sadd.s32 s26, s18;
	[tilespmem:v49+s16+$0x0] =	vst.idx.add.f32.msk $0xffff, v63  }
0x312: {  	v51 =	vor.u32 v40, v57;
	s10 =	sadd.s32 s28, s31;
	v61 =	vadd.s32 s26, v25;
	[tilespmem:v62+s16+$0x0] =	vst.idx.add.f32.msk $0xffff, v59  }
0x313: {  	v56 =	vor.u32 v61, v41;
	v47 =	vld [tilespmem:s10+$0x0]  }
0x314: {  	s8 =	sadd.s32 s29, s3;
	[tilespmem:v2+s16+$0x0] =	vst.idx.add.f32.msk $0xffff, v60  }
0x315: {  	s9 =	sadd.s32 s30, s3;
	v52 =	vor.u32 v57, v42;
	v2 =	vld [tilespmem:s8+$0x0]  }
0x316: {  	s12 =	rddreg [dreg:$0x1b];
	v0 =	vor.u32 v57, v43;
	v44 =	vld [tilespmem:s9+$0x0]  }
0x317: {  	s13 =	sadd.s32 s26, s12;
	[tilespmem:v51+s16+$0x0] =	vst.idx.add.f32.msk $0xffff, v1  }
0x318: {  	s14 =	sadd.s32 s28, s13;
	v62 =	vadd.s32 s26, v26;
	[tilespmem:v56+s16+$0x0] =	vst.idx.add.f32.msk $0xffff, v47  }
0x319: {  	v57 =	vor.u32 v62, v41;
	v47 =	vld [tilespmem:s14+$0x0]  }
0x31a: {  	[tilespmem:v52+s16+$0x0] =	vst.idx.add.f32.msk $0xffff, v2  }
0x31b: {  	s17 =	sadd.s32 s25, s15;
	[tilespmem:v0+s16+$0x0] =	vst.idx.add.f32.msk $0xffff, v44  }
0x31c: {  	s3 =	sadd.s32 s30, s15;
	s0 =	sadd.s32 s29, s15;
	s15 =	rddreg [dreg:$0x1c];
	v45 =	vor.u32 v40, v58;
	v0 =	vld [tilespmem:s17+$0x0]  }
0x31d: {  	v46 =	vor.u32 v58, v42;
	s8 =	sadd.s32 s26, s15;
	v52 =	vld [tilespmem:s0+$0x0]  }
0x31e: {  	v2 =	vadd.s32 s26, v27;
	s17 =	sadd.s32 s28, s8;
	[tilespmem:v57+s16+$0x0] =	vst.idx.add.f32.msk $0xffff, v47  }
0x31f: {  	v60 =	vor.u32 v2, v41;
	v63 =	vld [tilespmem:s17+$0x0]  }
0x320: {  	v50 =	vor.u32 v40, v61;
	v55 =	vor.u32 v61, v42;
	v48 =	vor.u32 v61, v43;
	v61 =	vld [tilespmem:s3+$0x0]  }
0x321: {  	v54 =	vor.u32 v58, v43;
	[tilespmem:v45+s16+$0x0] =	vst.idx.add.f32.msk $0xffff, v0  }
0x322: {  	s18 =	rddreg [dreg:$0x1d];
	s2 =	sadd.s32 s29, s31;
	s5 =	sadd.s32 s25, s31;
	[tilespmem:v46+s16+$0x0] =	vst.idx.add.f32.msk $0xffff, v52  }
0x323: {  	s11 =	sadd.s32 s30, s31;
	s31 =	sadd.s32 s26, s18;
	s4 =	sadd.s32 s25, s8;
	v53 =	vor.u32 v40, v62;
	v0 =	vld [tilespmem:s5+$0x0]  }
0x324: {  	s15 =	sadd.s32 s29, s8;
	v1 =	vor.u32 v62, v43;
	v56 =	vor.u32 v62, v42;
	v62 =	vadd.s32 s26, v28;
	s14 =	sadd.s32 s30, s8;
	s8 =	sadd.s32 s28, s31;
	[tilespmem:v60+s16+$0x0] =	vst.idx.add.f32.msk $0xffff, v63  }
0x325: {  	v59 =	vor.u32 v62, v41;
	v47 =	vld [tilespmem:s8+$0x0]  }
0x326: {  	[tilespmem:v54+s16+$0x0] =	vst.idx.add.f32.msk $0xffff, v61  }
0x327: {  	v52 =	vld [tilespmem:s2+$0x0]  }
0x328: {  	v54 =	vld [tilespmem:s11+$0x0];
	s8 =	rddreg [dreg:$0x1e]  }
0x329: {  	[tilespmem:v50+s16+$0x0] =	vst.idx.add.f32.msk $0xffff, v0;
	s7 =	sadd.s32 s26, s8  }
0x32a: {  	v57 =	vadd.s32 s26, v29;
	s9 =	sadd.s32 s28, s7;
	[tilespmem:v59+s16+$0x0] =	vst.idx.add.f32.msk $0xffff, v47  }
0x32b: {  	v60 =	vor.u32 v57, v41;
	v59 =	vld [tilespmem:s9+$0x0]  }
0x32c: {  	s1 =	sadd.s32 s25, s13;
	[tilespmem:v55+s16+$0x0] =	vst.idx.add.f32.msk $0xffff, v52  }
0x32d: {  	v0 =	vld [tilespmem:s1+$0x0]  }
0x32e: {  	s6 =	sadd.s32 s29, s13;
	s13 =	sadd.s32 s30, s13;
	[tilespmem:v48+s16+$0x0] =	vst.idx.add.f32.msk $0xffff, v54  }
0x32f: {  	v48 =	vld [tilespmem:s13+$0x0]  }
0x330: {  	s10 =	rddreg [dreg:$0x1f];
	[tilespmem:v60+s16+$0x0] =	vst.idx.add.f32.msk $0xffff, v59  }
0x331: {  	s11 =	sadd.s32 s26, s10;
	v59 =	vld [tilespmem:s6+$0x0]  }
0x332: {  	v46 =	vor.u32 v57, v42;
	s17 =	sadd.s32 s28, s11;
	[tilespmem:v53+s16+$0x0] =	vst.idx.add.f32.msk $0xffff, v0;
	v63 =	vadd.s32 s26, v30  }
0x333: {  	v50 =	vor.u32 v57, v43;
	v47 =	vor.u32 v40, v57;
	v57 =	vor.u32 v63, v41;
	v55 =	vld [tilespmem:s17+$0x0]  }
0x334: {  	s18 =	sld [smem:$0x7F2];
	v0 =	vld [tilespmem:s4+$0x0]  }
0x335: {  	[tilespmem:v1+s16+$0x0] =	vst.idx.add.f32.msk $0xffff, v48  }
0x336: {  	v49 =	vor.u32 v40, v2;
	[tilespmem:v56+s16+$0x0] =	vst.idx.add.f32.msk $0xffff, v59  }
0x337: {  	v51 =	vor.u32 v2, v42;
	s1 =	sadd.s32 s26, s18;
	v1 =	vld [tilespmem:s15+$0x0]  }
0x338: {  	v58 =	vor.u32 v40, v62;
	v53 =	vadd.s32 s26, v31;
	s8 =	sadd.s32 s28, s1;
	[tilespmem:v57+s16+$0x0] =	vst.idx.add.f32.msk $0xffff, v55  }
0x339: {  	v44 =	vor.u32 v62, v42;
	v45 =	vor.u32 v62, v43;
	v62 =	vor.u32 v53, v41;
	v61 =	vld [tilespmem:s8+$0x0]  }
0x33a: {  	v48 =	vld [tilespmem:s14+$0x0];
	s9 =	sld [smem:$0x7F3]  }
0x33b: {  	[tilespmem:v49+s16+$0x0] =	vst.idx.add.f32.msk $0xffff, v0  }
0x33c: {  	v2 =	vor.u32 v2, v43;
	s3 =	sadd.s32 s25, s31;
	s13 =	sadd.s32 s25, s1;
	[tilespmem:v51+s16+$0x0] =	vst.idx.add.f32.msk $0xffff, v1  }
0x33d: {  	s18 =	sadd.s32 s30, s1;
	s6 =	sadd.s32 s29, s1;
	s1 =	sadd.s32 s26, s9;
	v1 =	vld [tilespmem:s3+$0x0]  }
0x33e: {  	v52 =	vor.u32 v40, v63;
	s17 =	sadd.s32 s28, s1;
	v56 =	vadd.s32 s26, v32;
	[tilespmem:v62+s16+$0x0] =	vst.idx.add.f32.msk $0xffff, v61  }
0x33f: {  	v54 =	vor.u32 v63, v42;
	v60 =	vor.u32 v63, v43;
	v63 =	vor.u32 v56, v41;
	v62 =	vld [tilespmem:s17+$0x0];
	_ =	sdelay $0x1  }
0x340: {  	[tilespmem:v2+s16+$0x0] =	vst.idx.add.f32.msk $0xffff, v48  }
0x341: {  	s12 =	sadd.s32 s25, s7;
	[tilespmem:v58+s16+$0x0] =	vst.idx.add.f32.msk $0xffff, v1  }
0x342: {  	s4 =	sld [smem:$0x7F4];
	v1 =	vld [tilespmem:s12+$0x0]  }
0x343: {  	s0 =	sadd.s32 s29, s31;
	v2 =	vadd.s32 s26, v33;
	[tilespmem:v63+s16+$0x0] =	vst.idx.add.f32.msk $0xffff, v62  }
0x344: {  	s31 =	sadd.s32 s30, s31;
	v48 =	vor.u32 v2, v42;
	v63 =	vld [tilespmem:s0+$0x0]  }
0x345: {  	v49 =	vor.u32 v2, v43;
	s8 =	sadd.s32 s26, s4;
	v51 =	vor.u32 v40, v2;
	v62 =	vor.u32 v2, v41;
	v2 =	vld [tilespmem:s31+$0x0]  }
0x346: {  	s17 =	sadd.s32 s28, s8  }
0x347: {  	v59 =	vor.u32 v40, v56;
	v0 =	vor.u32 v56, v43;
	v61 =	vor.u32 v56, v42;
	v56 =	vld [tilespmem:s17+$0x0]  }
0x348: {  	[tilespmem:v47+s16+$0x0] =	vst.idx.add.f32.msk $0xffff, v1  }
0x349: {  	[tilespmem:v44+s16+$0x0] =	vst.idx.add.f32.msk $0xffff, v63  }
0x34a: {  	s10 =	sadd.s32 s25, s11;
	[tilespmem:v45+s16+$0x0] =	vst.idx.add.f32.msk $0xffff, v2  }
0x34b: {  	s17 =	sld [smem:$0x7F5];
	v1 =	vld [tilespmem:s10+$0x0]  }
0x34c: {  	s2 =	sadd.s32 s29, s7;
	v58 =	vadd.s32 s26, v34;
	[tilespmem:v62+s16+$0x0] =	vst.idx.add.f32.msk $0xffff, v56  }
0x34d: {  	s5 =	sadd.s32 s30, s7;
	v55 =	vor.u32 v40, v53;
	v57 =	vor.u32 v53, v42;
	v42 =	vor.u32 v58, v42;
	v2 =	vld [tilespmem:s2+$0x0]  }
0x34e: {  	v41 =	vor.u32 v58, v41;
	s17 =	sadd.s32 s26, s17;
	v56 =	vor.u32 v40, v58;
	v40 =	vor.u32 v58, v43;
	v58 =	vld [tilespmem:s5+$0x0]  }
0x34f: {  	s31 =	sadd.s32 s28, s17  }
0x350: {  	v62 =	vld [tilespmem:s31+$0x0]  }
0x351: {  	[tilespmem:v52+s16+$0x0] =	vst.idx.add.f32.msk $0xffff, v1  }
0x352: {  	[tilespmem:v46+s16+$0x0] =	vst.idx.add.f32.msk $0xffff, v2  }
0x353: {  	s7 =	sadd.s32 s29, s11;
	[tilespmem:v50+s16+$0x0] =	vst.idx.add.f32.msk $0xffff, v58  }
0x354: {  	s11 =	sadd.s32 s30, s11;
	v2 =	vld [tilespmem:s7+$0x0]  }
0x355: {  	v63 =	vld [tilespmem:s11+$0x0]  }
0x356: {  	v1 =	vld [tilespmem:s13+$0x0]  }
0x357: {  	[tilespmem:v41+s16+$0x0] =	vst.idx.add.f32.msk $0xffff, v62  }
0x358: {  	v44 =	vld [tilespmem:s23+$0x0]  }
0x359: {  	[tilespmem:v54+s16+$0x0] =	vst.idx.add.f32.msk $0xffff, v2  }
0x35a: {  	[tilespmem:v60+s16+$0x0] =	vst.idx.add.f32.msk $0xffff, v63  }
0x35b: {  	v2 =	vld [tilespmem:s6+$0x0]  }
0x35c: {  	v53 =	vor.u32 v53, v43;
	v41 =	vld [tilespmem:s18+$0x0]  }
0x35d: {  	s9 =	sadd.s32 s25, s1;
	[tilespmem:v55+s16+$0x0] =	vst.idx.add.f32.msk $0xffff, v1  }
0x35e: {  	v1 =	vld [tilespmem:s9+$0x0]  }
0x35f: {  	[tilespmem:v36+s16+$0x0] =	vst.idx.add.f32.msk $0xffff, v38  }
0x360: {  	[tilespmem:v57+s16+$0x0] =	vst.idx.add.f32.msk $0xffff, v2  }
0x361: {  	s15 =	sadd.s32 s29, s1;
	[tilespmem:v53+s16+$0x0] =	vst.idx.add.f32.msk $0xffff, v41  }
0x362: {  	s14 =	sadd.s32 s30, s1;
	v2 =	vld [tilespmem:s15+$0x0]  }
0x363: {  	v41 =	vld [tilespmem:s14+$0x0]  }
0x364: {  	s4 =	sadd.s32 s25, s8;
	[tilespmem:v59+s16+$0x0] =	vst.idx.add.f32.msk $0xffff, v1  }
0x365: {  	p1 =	slt.u32 s24, $0x3C;
	v38 =	vld [tilespmem:s4+$0x0]  }
.Ltmp5:
0x366: {  	[tilespmem:v37+s16+$0x0] =	vst.idx.add.f32.msk $0xffff, v39;
	(pc) =	sbr.rel @p1 .LBB2_10-.Ltmp5, $4  }
0x367: {  	[tilespmem:v61+s16+$0x0] =	vst.idx.add.f32.msk $0xffff, v2  }
0x368: {  	s1 =	sadd.s32 s29, s8;
	[tilespmem:v0+s16+$0x0] =	vst.idx.add.f32.msk $0xffff, v41  }
0x369: {  	s8 =	sadd.s32 s30, s8;
	s12 =	sadd.s32 s30, s17;
	v39 =	vld [tilespmem:s1+$0x0]  }
0x36a: {  	s3 =	sadd.s32 s25, s17;
	s0 =	sadd.s32 s29, s17;
	s23 =	smov.u32 s12;
	v36 =	vmov v56;
	v37 =	vmov v42;
	v43 =	vld [tilespmem:s8+$0x0]  }
0x36b: {  	_ =	sdelay $0x3  }
0x36c: {  	[tilespmem:v51+s16+$0x0] =	vst.idx.add.f32.msk $0xffff, v38  }
0x36d: {  	v0 =	vld [tilespmem:s3+$0x0]  }
0x36e: {  	[tilespmem:v48+s16+$0x0] =	vst.idx.add.f32.msk $0xffff, v39  }
0x36f: {  	[tilespmem:v49+s16+$0x0] =	vst.idx.add.f32.msk $0xffff, v43  }
0x370: {  	v1 =	vld [tilespmem:s0+$0x0]  }
0x371: {  	v2 =	vld [tilespmem:s23+$0x0]  }
.Ltmp6:
0x372: {  	_ = 	snop;
	(pc) =	sbr.rel @p2 .LBB2_9-.Ltmp6, $4  }
0x373: {  	[tilespmem:v35+s16+$0x0] =	vst.idx.add.f32.msk $0xffff, v44  }
0x374: {  	[tilespmem:v36+s16+$0x0] =	vst.idx.add.f32.msk $0xffff, v0  }
0x375: {  	[tilespmem:v37+s16+$0x0] =	vst.idx.add.f32.msk $0xffff, v1  }
0x376: {  	p1 =	por $0x0, $0x0;
	s0 =	simm.s32 $0x1;
	[tilespmem:v40+s16+$0x0] =	vst.idx.add.f32.msk $0xffff, v2  }
.Ltmp7:
0x377: {  	(pc) =	sbr.rel @p0 .LBB2_14-.Ltmp7, $1  }
0x378: {  	_ =	sdelay $0x3  }
0x379: {  	s0 =	sld [smem:$0x7FB];
	_ =	sdelay $0x1  }
.Ltmp8:
0x37a: {  	_ = 	snop;
	(pc) =	sbr.rel .LBB2_4-.Ltmp8, $4  }
0x37b: {  	s1 =	rddreg [dreg:$0x0];
	s0 =	sadd.s32 s20, s0  }
0x37c: {  	s31 =	simm.s32 $0x2000;
	s2 =	simm.s32 $0x400;
	s0 =	sshrl.u32 s0, $0x3  }
0x37d: {  	s3 =	simm.s32 $0x8400;
	s19 =	sadd.s32 $0x1, s19;
	s0 =	sadd.s32 s1, s0  }
0x37e: {  	[tilespmem:s3], [sflag:$0x2] =	stream.strided.gather [hbm4b:s0+s2], $0x8000, s31, s2, $0x38;
	[tilespmem:$0x14400] =	vst v63  }
.LBB2_15:
0x37f: {  	_ =	sfence.sel $0x180000  }
0x380: {  	[bflag:$0x0] =	sbarrier.arrive $0xFFFF  }
0x381: {  	_ =	strace $0x90000047  }
0x382: {  	s0 =	stileid.u32;
	[bflag:$0x2] =	sbarrier.arrive $0xFFFF  }
0x383: {  	p0 =	sne.s32 s0, $0x0;
	s0 =	rddreg [dreg:$0x3]  }
0x384: {  	s0 =	sadd.s32 @!p0 $0x100000, s0  }
0x385: {  	[sflag:s0] =	ssyncadd.tile.s32 @!p0 $0x1;
	_ =	shalt  }
.Lfunc_end2:
_tile_overlayer_lowered:
.L_overlay_start_2:
0x386: {  	(tag) =	ssettag $0x2  }
0x387: {  	s0 =	rddreg [dreg:$0x0];
	s2 =	stileid.u32  }
0x388: {  	s1 =	rddreg [dreg:$0x1];
	p0 =	sne.s32 s2, $0x0  }
0x389: {  	s3 =	rddreg [dreg:$0x2];
	[bflag:$0x3] =	sbarrier.arrive $0xFFFF;
	s2 =	simm.s32 @!p0 $0x1C03  }
0x38a: {  	[timem:s3], [sflag:s2] =	dma.local @!p0 [hbm:s0], s1  }
0x38b: {  	s0 =	simm.s32 @!p0 $0x3  }
0x38c: {  	_ =	swait.ge @!p0 [sflag:s0], s1  }
0x38d: {  	s1 =	ssub.s32 @!p0 $0x0, s1;
	[sflag:s0] =	ssyncset.done @!p0 $0x0  }
0x38e: {  	[sflag:s0] =	ssyncadd.s32 @!p0 s1  }
0x38f: {  	[bflag:$0x3] =	sbarrier.arrive $0xFFFF  }
0x390: {  	_ =	shalt  }

</sc_bundles>
